<compile_context>
chip_gen: v7x
topology: tpu7x:2x2x1
jax: 0.10.2.dev20260603
libtpu: 0.0.44.dev20260713+nightly
codegen_flags: <defaults>
</compile_context>

<pallas_src>
import functools

import jax
import jax.numpy as jnp
from jax import lax
from jax.experimental import pallas as pl
from jax.experimental.pallas import tpu as pltpu
from jax.experimental.pallas import tpu_sc as plsc

_VOCAB = 1000000
_EMBED = 64
_BATCH = 16384
_PRED = 20

_NC = 2
_NS = 16
_NW = _NC * _NS
_ROWS_W = _BATCH // _NW
_CHUNK = 32
_NCHUNK = _ROWS_W // _CHUNK
_IDX_G = 128
_G_PER_CHUNK = _CHUNK * _PRED // _IDX_G

_LN2 = 0.6931471805599453
_NEG = -1e30


def _vlog(x):
    bits = lax.bitcast_convert_type(x, jnp.int32)
    e = ((bits >> 23) & 0xFF) - 127
    m = lax.bitcast_convert_type(
        (bits & 0x007FFFFF) | 0x3F800000, jnp.float32)
    big = m > 1.4142135381698608
    m = jnp.where(big, m * 0.5, m)
    ef = (e + big.astype(jnp.int32)).astype(jnp.float32)
    t = m - 1.0
    z = t / (t + 2.0)
    z2 = z * z
    s = 2.0 * z * (1.0 + z2 * (1.0 / 3.0 + z2 * (0.2 + z2 * (1.0 / 7.0))))
    return ef * _LN2 + s


def _row_halves(ref, r):
    return [ref[r, pl.ds(16 * k, 16)] for k in range(4)]


def _body(posu, posv, ut, vt, out, uidx, vidx, urows, vrows, accv, sem):
    c = lax.axis_index("c")
    s = lax.axis_index("s")
    wid = s * _NC + c
    lanes = lax.iota(jnp.int32, 16)

    def chunk_body(i, acc):
        row0 = wid * _ROWS_W + i * _CHUNK
        pltpu.sync_copy(posu.at[pl.ds(row0, _CHUNK)], uidx)
        pltpu.sync_copy(posv.at[pl.ds(row0 * _PRED, _CHUNK * _PRED)], vidx)
        cps = [pltpu.async_copy(ut.at[uidx], urows, sem)]
        for g in range(_G_PER_CHUNK):
            cps.append(pltpu.async_copy(
                vt.at[vidx.at[pl.ds(g * _IDX_G, _IDX_G)]],
                vrows.at[pl.ds(g * _IDX_G, _IDX_G)], sem))
        for cp in cps:
            cp.wait()

        def row_body(r, acc2):
            u = _row_halves(urows, r)
            d0 = None
            v0 = jnp.zeros((16,), jnp.float32)
            v1 = jnp.full((16,), _NEG, jnp.float32)
            for p in range(_PRED):
                w = _row_halves(vrows, r * _PRED + p)
                part = (u[0] * w[0] + u[1] * w[1]) + (u[2] * w[2] + u[3] * w[3])
                dp = jnp.sum(part)
                if p == 0:
                    d0 = dp
                if p < 16:
                    v0 = jnp.where(lanes == p, dp, v0)
                else:
                    v1 = jnp.where(lanes == (p - 16), dp, v1)
            mx = jnp.max(jnp.maximum(v0, v1))
            ssum = jnp.sum(jnp.exp(v0 - mx) + jnp.exp(v1 - mx))
            sv = jnp.broadcast_to(ssum, (16,))
            return acc2 + (_vlog(sv) + (mx - d0))

        return lax.fori_loop(0, _CHUNK, row_body, acc)

    acc = lax.fori_loop(0, _NCHUNK, chunk_body, jnp.zeros((16,), jnp.float32))
    accv[...] = acc
    pltpu.sync_copy(accv, out.at[wid])


@jax.jit
def kernel(pos_u, pos_neg_v, u_table, v_table):
    posu = pos_u.reshape(_BATCH)
    posv = pos_neg_v.reshape(_BATCH * _PRED)
    mesh = plsc.VectorSubcoreMesh(core_axis_name="c", subcore_axis_name="s")
    f = functools.partial(
        pl.kernel,
        out_type=jax.ShapeDtypeStruct((_NW, 16), jnp.float32),
        mesh=mesh,
        scratch_types=[
            pltpu.VMEM((_CHUNK,), jnp.int32),
            pltpu.VMEM((_CHUNK * _PRED,), jnp.int32),
            pltpu.VMEM((_CHUNK, _EMBED), jnp.float32),
            pltpu.VMEM((_CHUNK * _PRED, _EMBED), jnp.float32),
            pltpu.VMEM((16,), jnp.float32),
            pltpu.SemaphoreType.DMA,
        ],
        compiler_params=pltpu.CompilerParams(
            needs_layout_passes=False, use_tc_tiling_on_sc=False),
    )(_body)
    partials = f(posu, posv, u_table, v_table)
    return jnp.sum(partials[:, 0]) / _BATCH

# --- scband reference (transcript-rebuilt; emitter-appended) ---
"""Pipeline reference for scband-skip-gram-model-65927747993884 (READ-ONLY COPY).

The authoritative reference and input builder live on the scoring server;
editing this copy changes nothing except your own understanding.
"""

import jax, jax.numpy as jnp
import numpy as np

VOCAB = 1000000
EMBED = 64
BATCH = 16384
PRED = 20

def setup_inputs(seed: int = 0) -> dict:
    key = jax.random.key(seed)
    k1, k2, k3, k4 = jax.random.split(key, 4)
    pos_u = jax.random.randint(k1, (BATCH, 1), 0, VOCAB, dtype=jnp.int64 if jax.config.jax_enable_x64 else jnp.int32).astype(jnp.int32)
    pos_neg_v = jax.random.randint(k2, (BATCH, PRED), 0, VOCAB).astype(jnp.int32)
    initrange = 0.5 / EMBED
    u_table = jax.random.uniform(k3, (VOCAB, EMBED), dtype=jnp.float32, minval=-initrange, maxval=initrange)
    # NOTE: torch inits v_table to zeros; we use small random values so the
    # computation (and gradients) are non-degenerate while keeping the same math.
    v_table = jax.random.normal(k4, (VOCAB, EMBED), dtype=jnp.float32) * 0.01
    return {"pos_u": pos_u, "pos_neg_v": pos_neg_v, "u_table": u_table, "v_table": v_table}

def reference(pos_u, pos_neg_v, u_table, v_table):
    # embedding lookups (gather)
    embed_u = jnp.take(u_table, pos_u, axis=0)        # [B, 1, D]
    embed_v = jnp.take(v_table, pos_neg_v, axis=0)    # [B, P, D]
    # bmm: [B,1,D] x [B,D,P] -> [B,1,P] -> squeeze -> [B,P]
    pred = jnp.einsum('bqd,bpd->bqp', embed_u, embed_v)[:, 0, :]
    # cross_entropy with labels = 0 for every row
    lse = jax.scipy.special.logsumexp(pred, axis=1)
    loss = jnp.mean(lse - pred[:, 0])
    return loss

if __name__ == "__main__":
    import jax
    _d = setup_inputs()
    print(jax.jit(kernel)(*tuple(_d.values())))

</pallas_src>

<mosaic_0001>
#map = affine_map<(d0, d1) -> (0)>
#map1 = affine_map<(d0, d1) -> (0, 0)>
module attributes {stable_mosaic.version = 14 : i64} {
  func.func @_body(%arg0: i32, %arg1: i32, %arg2: memref<16384xi32, #tpu.memory_space<hbm>>, %arg3: memref<327680xi32, #tpu.memory_space<hbm>>, %arg4: memref<1000000x64xf32, #tpu.memory_space<hbm>>, %arg5: memref<1000000x64xf32, #tpu.memory_space<hbm>>, %arg6: memref<32x16xf32, #tpu.memory_space<hbm>>, %arg7: memref<32xi32, #tpu.memory_space<vmem>>, %arg8: memref<640xi32, #tpu.memory_space<vmem>>, %arg9: memref<32x64xf32, #tpu.memory_space<vmem>>, %arg10: memref<640x64xf32, #tpu.memory_space<vmem>>, %arg11: memref<16xf32, #tpu.memory_space<vmem>>, %arg12: memref<!tpu.dma_semaphore, #tpu.memory_space<semaphore_mem>>) attributes {dimension_semantics = [#tpu.dimension_semantics<core_parallel>, #tpu.dimension_semantics<subcore_parallel>], iteration_bounds = array<i64: 2, 16>, scalar_prefetch = 0 : i64, scratch_operands = 6 : i64, tpu.core_type = #tpu.core_type<sc_vector_subcore>, window_params = [{transform_indices = #map}, {transform_indices = #map}, {transform_indices = #map1}, {transform_indices = #map1}, {transform_indices = #map1}]} {
    %mul3A = arith.constant 2 : i32
    %mul3A_0 = arith.muli %arg1, %mul3A : i32
    %add3A = arith.addi %mul3A_0, %arg0 : i32
    %iota3A = tpu.iota {dimensions = array<i32: 0>} : vector<16xi32>
    %broadcast_in_dim3A = arith.constant 0.000000e+00 : f32
    %broadcast_in_dim3A_1 = vector.broadcast %broadcast_in_dim3A : f32 to vector<16xf32>
    %scan3A = arith.constant 0 : i32
    %scan3A_2 = arith.constant 16 : i32
    %scan3A_3 = arith.addi %scan3A, %scan3A_2 : i32
    %scan3A_4 = arith.constant 1 : i32
    %scan3A_5 = scf.for %scan3A_8 = %scan3A to %scan3A_3 step %scan3A_4 iter_args(%scan3A_9 = %broadcast_in_dim3A_1) -> (vector<16xf32>)  : i32 {
      %mul3A_10 = arith.constant 512 : i32
      %mul3A_11 = arith.muli %add3A, %mul3A_10 : i32
      %mul3A_12 = arith.constant 32 : i32
      %mul3A_13 = arith.muli %scan3A_8, %mul3A_12 : i32
      %add3A_14 = arith.addi %mul3A_11, %mul3A_13 : i32
      "tpu.region"() ({
        %run_scoped3A = tpu.sem_alloc : memref<!tpu.dma_semaphore, #tpu.memory_space<semaphore_mem>>
        %dma_start3A_107 = tpu.memref_slice %arg2[%add3A_14] : memref<16384xi32, #tpu.memory_space<hbm>> -> memref<32xi32, #tpu.memory_space<hbm>>
        %dma_start3A_108 = tpu.memref_slice %arg2[%add3A_14] : memref<16384xi32, #tpu.memory_space<hbm>> -> memref<32xi32, #tpu.memory_space<hbm>>
        tpu.enqueue_dma source(%dma_start3A_108 : memref<32xi32, #tpu.memory_space<hbm>>) target(%arg7 : memref<32xi32, #tpu.memory_space<vmem>>) target_semaphore(%run_scoped3A : memref<!tpu.dma_semaphore, #tpu.memory_space<semaphore_mem>>)
        %dma_wait3A_109 = tpu.memref_slice %arg2[%add3A_14] : memref<16384xi32, #tpu.memory_space<hbm>> -> memref<32xi32, #tpu.memory_space<hbm>>
        %dma_wait3A_110 = tpu.memref_slice %arg2[%add3A_14] : memref<16384xi32, #tpu.memory_space<hbm>> -> memref<32xi32, #tpu.memory_space<hbm>>
        tpu.wait_dma2 semaphore(%run_scoped3A : memref<!tpu.dma_semaphore, #tpu.memory_space<semaphore_mem>>) src(%dma_wait3A_110 : memref<32xi32, #tpu.memory_space<hbm>>) dst(%arg7 : memref<32xi32, #tpu.memory_space<vmem>>)
        tpu.yield
      }) : () -> ()
      %mul3A_15 = arith.constant 20 : i32
      %mul3A_16 = arith.muli %add3A_14, %mul3A_15 : i32
      "tpu.region"() ({
        %run_scoped3A = tpu.sem_alloc : memref<!tpu.dma_semaphore, #tpu.memory_space<semaphore_mem>>
        %dma_start3A_107 = tpu.memref_slice %arg3[%mul3A_16] : memref<327680xi32, #tpu.memory_space<hbm>> -> memref<640xi32, #tpu.memory_space<hbm>>
        %dma_start3A_108 = tpu.memref_slice %arg3[%mul3A_16] : memref<327680xi32, #tpu.memory_space<hbm>> -> memref<640xi32, #tpu.memory_space<hbm>>
        tpu.enqueue_dma source(%dma_start3A_108 : memref<640xi32, #tpu.memory_space<hbm>>) target(%arg8 : memref<640xi32, #tpu.memory_space<vmem>>) target_semaphore(%run_scoped3A : memref<!tpu.dma_semaphore, #tpu.memory_space<semaphore_mem>>)
        %dma_wait3A_109 = tpu.memref_slice %arg3[%mul3A_16] : memref<327680xi32, #tpu.memory_space<hbm>> -> memref<640xi32, #tpu.memory_space<hbm>>
        %dma_wait3A_110 = tpu.memref_slice %arg3[%mul3A_16] : memref<327680xi32, #tpu.memory_space<hbm>> -> memref<640xi32, #tpu.memory_space<hbm>>
        tpu.wait_dma2 semaphore(%run_scoped3A : memref<!tpu.dma_semaphore, #tpu.memory_space<semaphore_mem>>) src(%dma_wait3A_110 : memref<640xi32, #tpu.memory_space<hbm>>) dst(%arg8 : memref<640xi32, #tpu.memory_space<vmem>>)
        tpu.yield
      }) : () -> ()
      %dma_start3A = arith.constant 0 : i32
      %dma_start3A_17 = arith.constant 0 : i32
      %dma_start3A_18 = tpu.memref_slice %arg4[%dma_start3A, %dma_start3A_17] : memref<1000000x64xf32, #tpu.memory_space<hbm>> -> memref<1000000x64xf32, #tpu.memory_space<hbm>>
      tpu.enqueue_indirect_dma source(%dma_start3A_18 : memref<1000000x64xf32, #tpu.memory_space<hbm>>) target(%arg9 : memref<32x64xf32, #tpu.memory_space<vmem>>) offsets(%arg7 : memref<32xi32, #tpu.memory_space<vmem>>) semaphore(%arg12 : memref<!tpu.dma_semaphore, #tpu.memory_space<semaphore_mem>>)
      %dma_start3A_19 = arith.constant 0 : i32
      %dma_start3A_20 = arith.constant 0 : i32
      %dma_start3A_21 = tpu.memref_slice %arg10[%dma_start3A_19, %dma_start3A_20] : memref<640x64xf32, #tpu.memory_space<vmem>> -> memref<128x64xf32, #tpu.memory_space<vmem>>
      %dma_start3A_22 = arith.constant 0 : i32
      %dma_start3A_23 = tpu.memref_slice %arg8[%dma_start3A_22] : memref<640xi32, #tpu.memory_space<vmem>> -> memref<128xi32, #tpu.memory_space<vmem>>
      %dma_start3A_24 = arith.constant 0 : i32
      %dma_start3A_25 = arith.constant 0 : i32
      %dma_start3A_26 = tpu.memref_slice %arg5[%dma_start3A_24, %dma_start3A_25] : memref<1000000x64xf32, #tpu.memory_space<hbm>> -> memref<1000000x64xf32, #tpu.memory_space<hbm>>
      tpu.enqueue_indirect_dma source(%dma_start3A_26 : memref<1000000x64xf32, #tpu.memory_space<hbm>>) target(%dma_start3A_21 : memref<128x64xf32, #tpu.memory_space<vmem>>) offsets(%dma_start3A_23 : memref<128xi32, #tpu.memory_space<vmem>>) semaphore(%arg12 : memref<!tpu.dma_semaphore, #tpu.memory_space<semaphore_mem>>)
      %dma_start3A_27 = arith.constant 128 : i32
      %dma_start3A_28 = arith.constant 0 : i32
      %dma_start3A_29 = tpu.memref_slice %arg10[%dma_start3A_27, %dma_start3A_28] : memref<640x64xf32, #tpu.memory_space<vmem>> -> memref<128x64xf32, #tpu.memory_space<vmem>>
      %dma_start3A_30 = arith.constant 128 : i32
      %dma_start3A_31 = tpu.memref_slice %arg8[%dma_start3A_30] : memref<640xi32, #tpu.memory_space<vmem>> -> memref<128xi32, #tpu.memory_space<vmem>>
      %dma_start3A_32 = arith.constant 0 : i32
      %dma_start3A_33 = arith.constant 0 : i32
      %dma_start3A_34 = tpu.memref_slice %arg5[%dma_start3A_32, %dma_start3A_33] : memref<1000000x64xf32, #tpu.memory_space<hbm>> -> memref<1000000x64xf32, #tpu.memory_space<hbm>>
      tpu.enqueue_indirect_dma source(%dma_start3A_34 : memref<1000000x64xf32, #tpu.memory_space<hbm>>) target(%dma_start3A_29 : memref<128x64xf32, #tpu.memory_space<vmem>>) offsets(%dma_start3A_31 : memref<128xi32, #tpu.memory_space<vmem>>) semaphore(%arg12 : memref<!tpu.dma_semaphore, #tpu.memory_space<semaphore_mem>>)
      %dma_start3A_35 = arith.constant 256 : i32
      %dma_start3A_36 = arith.constant 0 : i32
      %dma_start3A_37 = tpu.memref_slice %arg10[%dma_start3A_35, %dma_start3A_36] : memref<640x64xf32, #tpu.memory_space<vmem>> -> memref<128x64xf32, #tpu.memory_space<vmem>>
      %dma_start3A_38 = arith.constant 256 : i32
      %dma_start3A_39 = tpu.memref_slice %arg8[%dma_start3A_38] : memref<640xi32, #tpu.memory_space<vmem>> -> memref<128xi32, #tpu.memory_space<vmem>>
      %dma_start3A_40 = arith.constant 0 : i32
      %dma_start3A_41 = arith.constant 0 : i32
      %dma_start3A_42 = tpu.memref_slice %arg5[%dma_start3A_40, %dma_start3A_41] : memref<1000000x64xf32, #tpu.memory_space<hbm>> -> memref<1000000x64xf32, #tpu.memory_space<hbm>>
      tpu.enqueue_indirect_dma source(%dma_start3A_42 : memref<1000000x64xf32, #tpu.memory_space<hbm>>) target(%dma_start3A_37 : memref<128x64xf32, #tpu.memory_space<vmem>>) offsets(%dma_start3A_39 : memref<128xi32, #tpu.memory_space<vmem>>) semaphore(%arg12 : memref<!tpu.dma_semaphore, #tpu.memory_space<semaphore_mem>>)
      %dma_start3A_43 = arith.constant 384 : i32
      %dma_start3A_44 = arith.constant 0 : i32
      %dma_start3A_45 = tpu.memref_slice %arg10[%dma_start3A_43, %dma_start3A_44] : memref<640x64xf32, #tpu.memory_space<vmem>> -> memref<128x64xf32, #tpu.memory_space<vmem>>
      %dma_start3A_46 = arith.constant 384 : i32
      %dma_start3A_47 = tpu.memref_slice %arg8[%dma_start3A_46] : memref<640xi32, #tpu.memory_space<vmem>> -> memref<128xi32, #tpu.memory_space<vmem>>
      %dma_start3A_48 = arith.constant 0 : i32
      %dma_start3A_49 = arith.constant 0 : i32
      %dma_start3A_50 = tpu.memref_slice %arg5[%dma_start3A_48, %dma_start3A_49] : memref<1000000x64xf32, #tpu.memory_space<hbm>> -> memref<1000000x64xf32, #tpu.memory_space<hbm>>
      tpu.enqueue_indirect_dma source(%dma_start3A_50 : memref<1000000x64xf32, #tpu.memory_space<hbm>>) target(%dma_start3A_45 : memref<128x64xf32, #tpu.memory_space<vmem>>) offsets(%dma_start3A_47 : memref<128xi32, #tpu.memory_space<vmem>>) semaphore(%arg12 : memref<!tpu.dma_semaphore, #tpu.memory_space<semaphore_mem>>)
      %dma_start3A_51 = arith.constant 512 : i32
      %dma_start3A_52 = arith.constant 0 : i32
      %dma_start3A_53 = tpu.memref_slice %arg10[%dma_start3A_51, %dma_start3A_52] : memref<640x64xf32, #tpu.memory_space<vmem>> -> memref<128x64xf32, #tpu.memory_space<vmem>>
      %dma_start3A_54 = arith.constant 512 : i32
      %dma_start3A_55 = tpu.memref_slice %arg8[%dma_start3A_54] : memref<640xi32, #tpu.memory_space<vmem>> -> memref<128xi32, #tpu.memory_space<vmem>>
      %dma_start3A_56 = arith.constant 0 : i32
      %dma_start3A_57 = arith.constant 0 : i32
      %dma_start3A_58 = tpu.memref_slice %arg5[%dma_start3A_56, %dma_start3A_57] : memref<1000000x64xf32, #tpu.memory_space<hbm>> -> memref<1000000x64xf32, #tpu.memory_space<hbm>>
      tpu.enqueue_indirect_dma source(%dma_start3A_58 : memref<1000000x64xf32, #tpu.memory_space<hbm>>) target(%dma_start3A_53 : memref<128x64xf32, #tpu.memory_space<vmem>>) offsets(%dma_start3A_55 : memref<128xi32, #tpu.memory_space<vmem>>) semaphore(%arg12 : memref<!tpu.dma_semaphore, #tpu.memory_space<semaphore_mem>>)
      %dma_wait3A = arith.constant 0 : i32
      %dma_wait3A_59 = arith.constant 0 : i32
      %dma_wait3A_60 = tpu.memref_slice %arg4[%dma_wait3A, %dma_wait3A_59] : memref<1000000x64xf32, #tpu.memory_space<hbm>> -> memref<1000000x64xf32, #tpu.memory_space<hbm>>
      tpu.wait_indirect_dma semaphore(%arg12 : memref<!tpu.dma_semaphore, #tpu.memory_space<semaphore_mem>>) src(%dma_wait3A_60 : memref<1000000x64xf32, #tpu.memory_space<hbm>>) dst(%arg9 : memref<32x64xf32, #tpu.memory_space<vmem>>)
      %dma_wait3A_61 = arith.constant 0 : i32
      %dma_wait3A_62 = arith.constant 0 : i32
      %dma_wait3A_63 = tpu.memref_slice %arg10[%dma_wait3A_61, %dma_wait3A_62] : memref<640x64xf32, #tpu.memory_space<vmem>> -> memref<128x64xf32, #tpu.memory_space<vmem>>
      %dma_wait3A_64 = arith.constant 0 : i32
      %dma_wait3A_65 = tpu.memref_slice %arg8[%dma_wait3A_64] : memref<640xi32, #tpu.memory_space<vmem>> -> memref<128xi32, #tpu.memory_space<vmem>>
      %dma_wait3A_66 = arith.constant 0 : i32
      %dma_wait3A_67 = arith.constant 0 : i32
      %dma_wait3A_68 = tpu.memref_slice %arg5[%dma_wait3A_66, %dma_wait3A_67] : memref<1000000x64xf32, #tpu.memory_space<hbm>> -> memref<1000000x64xf32, #tpu.memory_space<hbm>>
      tpu.wait_indirect_dma semaphore(%arg12 : memref<!tpu.dma_semaphore, #tpu.memory_space<semaphore_mem>>) src(%dma_wait3A_68 : memref<1000000x64xf32, #tpu.memory_space<hbm>>) dst(%dma_wait3A_63 : memref<128x64xf32, #tpu.memory_space<vmem>>)
      %dma_wait3A_69 = arith.constant 128 : i32
      %dma_wait3A_70 = arith.constant 0 : i32
      %dma_wait3A_71 = tpu.memref_slice %arg10[%dma_wait3A_69, %dma_wait3A_70] : memref<640x64xf32, #tpu.memory_space<vmem>> -> memref<128x64xf32, #tpu.memory_space<vmem>>
      %dma_wait3A_72 = arith.constant 128 : i32
      %dma_wait3A_73 = tpu.memref_slice %arg8[%dma_wait3A_72] : memref<640xi32, #tpu.memory_space<vmem>> -> memref<128xi32, #tpu.memory_space<vmem>>
      %dma_wait3A_74 = arith.constant 0 : i32
      %dma_wait3A_75 = arith.constant 0 : i32
      %dma_wait3A_76 = tpu.memref_slice %arg5[%dma_wait3A_74, %dma_wait3A_75] : memref<1000000x64xf32, #tpu.memory_space<hbm>> -> memref<1000000x64xf32, #tpu.memory_space<hbm>>
      tpu.wait_indirect_dma semaphore(%arg12 : memref<!tpu.dma_semaphore, #tpu.memory_space<semaphore_mem>>) src(%dma_wait3A_76 : memref<1000000x64xf32, #tpu.memory_space<hbm>>) dst(%dma_wait3A_71 : memref<128x64xf32, #tpu.memory_space<vmem>>)
      %dma_wait3A_77 = arith.constant 256 : i32
      %dma_wait3A_78 = arith.constant 0 : i32
      %dma_wait3A_79 = tpu.memref_slice %arg10[%dma_wait3A_77, %dma_wait3A_78] : memref<640x64xf32, #tpu.memory_space<vmem>> -> memref<128x64xf32, #tpu.memory_space<vmem>>
      %dma_wait3A_80 = arith.constant 256 : i32
      %dma_wait3A_81 = tpu.memref_slice %arg8[%dma_wait3A_80] : memref<640xi32, #tpu.memory_space<vmem>> -> memref<128xi32, #tpu.memory_space<vmem>>
      %dma_wait3A_82 = arith.constant 0 : i32
      %dma_wait3A_83 = arith.constant 0 : i32
      %dma_wait3A_84 = tpu.memref_slice %arg5[%dma_wait3A_82, %dma_wait3A_83] : memref<1000000x64xf32, #tpu.memory_space<hbm>> -> memref<1000000x64xf32, #tpu.memory_space<hbm>>
      tpu.wait_indirect_dma semaphore(%arg12 : memref<!tpu.dma_semaphore, #tpu.memory_space<semaphore_mem>>) src(%dma_wait3A_84 : memref<1000000x64xf32, #tpu.memory_space<hbm>>) dst(%dma_wait3A_79 : memref<128x64xf32, #tpu.memory_space<vmem>>)
      %dma_wait3A_85 = arith.constant 384 : i32
      %dma_wait3A_86 = arith.constant 0 : i32
      %dma_wait3A_87 = tpu.memref_slice %arg10[%dma_wait3A_85, %dma_wait3A_86] : memref<640x64xf32, #tpu.memory_space<vmem>> -> memref<128x64xf32, #tpu.memory_space<vmem>>
      %dma_wait3A_88 = arith.constant 384 : i32
      %dma_wait3A_89 = tpu.memref_slice %arg8[%dma_wait3A_88] : memref<640xi32, #tpu.memory_space<vmem>> -> memref<128xi32, #tpu.memory_space<vmem>>
      %dma_wait3A_90 = arith.constant 0 : i32
      %dma_wait3A_91 = arith.constant 0 : i32
      %dma_wait3A_92 = tpu.memref_slice %arg5[%dma_wait3A_90, %dma_wait3A_91] : memref<1000000x64xf32, #tpu.memory_space<hbm>> -> memref<1000000x64xf32, #tpu.memory_space<hbm>>
      tpu.wait_indirect_dma semaphore(%arg12 : memref<!tpu.dma_semaphore, #tpu.memory_space<semaphore_mem>>) src(%dma_wait3A_92 : memref<1000000x64xf32, #tpu.memory_space<hbm>>) dst(%dma_wait3A_87 : memref<128x64xf32, #tpu.memory_space<vmem>>)
      %dma_wait3A_93 = arith.constant 512 : i32
      %dma_wait3A_94 = arith.constant 0 : i32
      %dma_wait3A_95 = tpu.memref_slice %arg10[%dma_wait3A_93, %dma_wait3A_94] : memref<640x64xf32, #tpu.memory_space<vmem>> -> memref<128x64xf32, #tpu.memory_space<vmem>>
      %dma_wait3A_96 = arith.constant 512 : i32
      %dma_wait3A_97 = tpu.memref_slice %arg8[%dma_wait3A_96] : memref<640xi32, #tpu.memory_space<vmem>> -> memref<128xi32, #tpu.memory_space<vmem>>
      %dma_wait3A_98 = arith.constant 0 : i32
      %dma_wait3A_99 = arith.constant 0 : i32
      %dma_wait3A_100 = tpu.memref_slice %arg5[%dma_wait3A_98, %dma_wait3A_99] : memref<1000000x64xf32, #tpu.memory_space<hbm>> -> memref<1000000x64xf32, #tpu.memory_space<hbm>>
      tpu.wait_indirect_dma semaphore(%arg12 : memref<!tpu.dma_semaphore, #tpu.memory_space<semaphore_mem>>) src(%dma_wait3A_100 : memref<1000000x64xf32, #tpu.memory_space<hbm>>) dst(%dma_wait3A_95 : memref<128x64xf32, #tpu.memory_space<vmem>>)
      %scan3A_101 = arith.constant 0 : i32
      %scan3A_102 = arith.constant 32 : i32
      %scan3A_103 = arith.addi %scan3A_101, %scan3A_102 : i32
      %scan3A_104 = arith.constant 1 : i32
      %scan3A_105 = scf.for %scan3A_107 = %scan3A_101 to %scan3A_103 step %scan3A_104 iter_args(%scan3A_108 = %scan3A_9) -> (vector<16xf32>)  : i32 {
        %get3A = arith.index_cast %scan3A_107 : i32 to index
        %get3A_109 = arith.constant 0 : index
        %get3A_110 = tpu.vector_load %arg9[%get3A, %get3A_109] {strides = array<i32>} : memref<32x64xf32, #tpu.memory_space<vmem>>, vector<16xf32>,
        %get3A_111 = arith.index_cast %scan3A_107 : i32 to index
        %get3A_112 = arith.constant 16 : index
        %get3A_113 = tpu.vector_load %arg9[%get3A_111, %get3A_112] {strides = array<i32>} : memref<32x64xf32, #tpu.memory_space<vmem>>, vector<16xf32>,
        %get3A_114 = arith.index_cast %scan3A_107 : i32 to index
        %get3A_115 = arith.constant 32 : index
        %get3A_116 = tpu.vector_load %arg9[%get3A_114, %get3A_115] {strides = array<i32>} : memref<32x64xf32, #tpu.memory_space<vmem>>, vector<16xf32>,
        %get3A_117 = arith.index_cast %scan3A_107 : i32 to index
        %get3A_118 = arith.constant 48 : index
        %get3A_119 = tpu.vector_load %arg9[%get3A_117, %get3A_118] {strides = array<i32>} : memref<32x64xf32, #tpu.memory_space<vmem>>, vector<16xf32>,
        %broadcast_in_dim3A_120 = arith.constant 0.000000e+00 : f32
        %broadcast_in_dim3A_121 = vector.broadcast %broadcast_in_dim3A_120 : f32 to vector<16xf32>
        %broadcast_in_dim3A_122 = arith.constant -1.000000e+30 : f32
        %broadcast_in_dim3A_123 = vector.broadcast %broadcast_in_dim3A_122 : f32 to vector<16xf32>
        %mul3A_124 = arith.constant 20 : i32
        %mul3A_125 = arith.muli %scan3A_107, %mul3A_124 : i32
        %add3A_126 = arith.constant 0 : i32
        %add3A_127 = arith.addi %mul3A_125, %add3A_126 : i32
        %get3A_128 = arith.index_cast %add3A_127 : i32 to index
        %get3A_129 = arith.constant 0 : index
        %get3A_130 = tpu.vector_load %arg10[%get3A_128, %get3A_129] {strides = array<i32>} : memref<640x64xf32, #tpu.memory_space<vmem>>, vector<16xf32>,
        %get3A_131 = arith.index_cast %add3A_127 : i32 to index
        %get3A_132 = arith.constant 16 : index
        %get3A_133 = tpu.vector_load %arg10[%get3A_131, %get3A_132] {strides = array<i32>} : memref<640x64xf32, #tpu.memory_space<vmem>>, vector<16xf32>,
        %get3A_134 = arith.index_cast %add3A_127 : i32 to index
        %get3A_135 = arith.constant 32 : index
        %get3A_136 = tpu.vector_load %arg10[%get3A_134, %get3A_135] {strides = array<i32>} : memref<640x64xf32, #tpu.memory_space<vmem>>, vector<16xf32>,
        %get3A_137 = arith.index_cast %add3A_127 : i32 to index
        %get3A_138 = arith.constant 48 : index
        %get3A_139 = tpu.vector_load %arg10[%get3A_137, %get3A_138] {strides = array<i32>} : memref<640x64xf32, #tpu.memory_space<vmem>>, vector<16xf32>,
        %mul3A_140 = arith.mulf %get3A_110, %get3A_130 : vector<16xf32>
        %mul3A_141 = arith.mulf %get3A_113, %get3A_133 : vector<16xf32>
        %add3A_142 = arith.addf %mul3A_140, %mul3A_141 : vector<16xf32>
        %mul3A_143 = arith.mulf %get3A_116, %get3A_136 : vector<16xf32>
        %mul3A_144 = arith.mulf %get3A_119, %get3A_139 : vector<16xf32>
        %add3A_145 = arith.addf %mul3A_143, %mul3A_144 : vector<16xf32>
        %add3A_146 = arith.addf %add3A_142, %add3A_145 : vector<16xf32>
        %reduce_sum3A = arith.constant true
        %reduce_sum3A_147 = vector.broadcast %reduce_sum3A : i1 to vector<16xi1>
        %reduce_sum3A_148 = tpu.scan <sum>, %add3A_146 masked %reduce_sum3A_147 : vector<16xf32>, vector<16xi1> -> vector<16xf32>
        %reduce_sum3A_149 = vector.extract %reduce_sum3A_148[15] : f32 from vector<16xf32>
        %eq3A = arith.constant 0 : i32
        %eq3A_150 = vector.broadcast %eq3A : i32 to vector<16xi32>
        %eq3A_151 = arith.cmpi eq, %iota3A, %eq3A_150 : vector<16xi32>
        %broadcast_in_dim3A_152 = vector.broadcast %reduce_sum3A_149 : f32 to vector<16xf32>
        %select_n3A = arith.select %eq3A_151, %broadcast_in_dim3A_152, %broadcast_in_dim3A_121 : vector<16xi1>, vector<16xf32>
        %mul3A_153 = arith.constant 20 : i32
        %mul3A_154 = arith.muli %scan3A_107, %mul3A_153 : i32
        %add3A_155 = arith.constant 1 : i32
        %add3A_156 = arith.addi %mul3A_154, %add3A_155 : i32
        %get3A_157 = arith.index_cast %add3A_156 : i32 to index
        %get3A_158 = arith.constant 0 : index
        %get3A_159 = tpu.vector_load %arg10[%get3A_157, %get3A_158] {strides = array<i32>} : memref<640x64xf32, #tpu.memory_space<vmem>>, vector<16xf32>,
        %get3A_160 = arith.index_cast %add3A_156 : i32 to index
        %get3A_161 = arith.constant 16 : index
        %get3A_162 = tpu.vector_load %arg10[%get3A_160, %get3A_161] {strides = array<i32>} : memref<640x64xf32, #tpu.memory_space<vmem>>, vector<16xf32>,
        %get3A_163 = arith.index_cast %add3A_156 : i32 to index
        %get3A_164 = arith.constant 32 : index
        %get3A_165 = tpu.vector_load %arg10[%get3A_163, %get3A_164] {strides = array<i32>} : memref<640x64xf32, #tpu.memory_space<vmem>>, vector<16xf32>,
        %get3A_166 = arith.index_cast %add3A_156 : i32 to index
        %get3A_167 = arith.constant 48 : index
        %get3A_168 = tpu.vector_load %arg10[%get3A_166, %get3A_167] {strides = array<i32>} : memref<640x64xf32, #tpu.memory_space<vmem>>, vector<16xf32>,
        %mul3A_169 = arith.mulf %get3A_110, %get3A_159 : vector<16xf32>
        %mul3A_170 = arith.mulf %get3A_113, %get3A_162 : vector<16xf32>
        %add3A_171 = arith.addf %mul3A_169, %mul3A_170 : vector<16xf32>
        %mul3A_172 = arith.mulf %get3A_116, %get3A_165 : vector<16xf32>
        %mul3A_173 = arith.mulf %get3A_119, %get3A_168 : vector<16xf32>
        %add3A_174 = arith.addf %mul3A_172, %mul3A_173 : vector<16xf32>
        %add3A_175 = arith.addf %add3A_171, %add3A_174 : vector<16xf32>
        %reduce_sum3A_176 = arith.constant true
        %reduce_sum3A_177 = vector.broadcast %reduce_sum3A_176 : i1 to vector<16xi1>
        %reduce_sum3A_178 = tpu.scan <sum>, %add3A_175 masked %reduce_sum3A_177 : vector<16xf32>, vector<16xi1> -> vector<16xf32>
        %reduce_sum3A_179 = vector.extract %reduce_sum3A_178[15] : f32 from vector<16xf32>
        %eq3A_180 = arith.constant 1 : i32
        %eq3A_181 = vector.broadcast %eq3A_180 : i32 to vector<16xi32>
        %eq3A_182 = arith.cmpi eq, %iota3A, %eq3A_181 : vector<16xi32>
        %broadcast_in_dim3A_183 = vector.broadcast %reduce_sum3A_179 : f32 to vector<16xf32>
        %select_n3A_184 = arith.select %eq3A_182, %broadcast_in_dim3A_183, %select_n3A : vector<16xi1>, vector<16xf32>
        %mul3A_185 = arith.constant 20 : i32
        %mul3A_186 = arith.muli %scan3A_107, %mul3A_185 : i32
        %add3A_187 = arith.constant 2 : i32
        %add3A_188 = arith.addi %mul3A_186, %add3A_187 : i32
        %get3A_189 = arith.index_cast %add3A_188 : i32 to index
        %get3A_190 = arith.constant 0 : index
        %get3A_191 = tpu.vector_load %arg10[%get3A_189, %get3A_190] {strides = array<i32>} : memref<640x64xf32, #tpu.memory_space<vmem>>, vector<16xf32>,
        %get3A_192 = arith.index_cast %add3A_188 : i32 to index
        %get3A_193 = arith.constant 16 : index
        %get3A_194 = tpu.vector_load %arg10[%get3A_192, %get3A_193] {strides = array<i32>} : memref<640x64xf32, #tpu.memory_space<vmem>>, vector<16xf32>,
        %get3A_195 = arith.index_cast %add3A_188 : i32 to index
        %get3A_196 = arith.constant 32 : index
        %get3A_197 = tpu.vector_load %arg10[%get3A_195, %get3A_196] {strides = array<i32>} : memref<640x64xf32, #tpu.memory_space<vmem>>, vector<16xf32>,
        %get3A_198 = arith.index_cast %add3A_188 : i32 to index
        %get3A_199 = arith.constant 48 : index
        %get3A_200 = tpu.vector_load %arg10[%get3A_198, %get3A_199] {strides = array<i32>} : memref<640x64xf32, #tpu.memory_space<vmem>>, vector<16xf32>,
        %mul3A_201 = arith.mulf %get3A_110, %get3A_191 : vector<16xf32>
        %mul3A_202 = arith.mulf %get3A_113, %get3A_194 : vector<16xf32>
        %add3A_203 = arith.addf %mul3A_201, %mul3A_202 : vector<16xf32>
        %mul3A_204 = arith.mulf %get3A_116, %get3A_197 : vector<16xf32>
        %mul3A_205 = arith.mulf %get3A_119, %get3A_200 : vector<16xf32>
        %add3A_206 = arith.addf %mul3A_204, %mul3A_205 : vector<16xf32>
        %add3A_207 = arith.addf %add3A_203, %add3A_206 : vector<16xf32>
        %reduce_sum3A_208 = arith.constant true
        %reduce_sum3A_209 = vector.broadcast %reduce_sum3A_208 : i1 to vector<16xi1>
        %reduce_sum3A_210 = tpu.scan <sum>, %add3A_207 masked %reduce_sum3A_209 : vector<16xf32>, vector<16xi1> -> vector<16xf32>
        %reduce_sum3A_211 = vector.extract %reduce_sum3A_210[15] : f32 from vector<16xf32>
        %eq3A_212 = arith.constant 2 : i32
        %eq3A_213 = vector.broadcast %eq3A_212 : i32 to vector<16xi32>
        %eq3A_214 = arith.cmpi eq, %iota3A, %eq3A_213 : vector<16xi32>
        %broadcast_in_dim3A_215 = vector.broadcast %reduce_sum3A_211 : f32 to vector<16xf32>
        %select_n3A_216 = arith.select %eq3A_214, %broadcast_in_dim3A_215, %select_n3A_184 : vector<16xi1>, vector<16xf32>
        %mul3A_217 = arith.constant 20 : i32
        %mul3A_218 = arith.muli %scan3A_107, %mul3A_217 : i32
        %add3A_219 = arith.constant 3 : i32
        %add3A_220 = arith.addi %mul3A_218, %add3A_219 : i32
        %get3A_221 = arith.index_cast %add3A_220 : i32 to index
        %get3A_222 = arith.constant 0 : index
        %get3A_223 = tpu.vector_load %arg10[%get3A_221, %get3A_222] {strides = array<i32>} : memref<640x64xf32, #tpu.memory_space<vmem>>, vector<16xf32>,
        %get3A_224 = arith.index_cast %add3A_220 : i32 to index
        %get3A_225 = arith.constant 16 : index
        %get3A_226 = tpu.vector_load %arg10[%get3A_224, %get3A_225] {strides = array<i32>} : memref<640x64xf32, #tpu.memory_space<vmem>>, vector<16xf32>,
        %get3A_227 = arith.index_cast %add3A_220 : i32 to index
        %get3A_228 = arith.constant 32 : index
        %get3A_229 = tpu.vector_load %arg10[%get3A_227, %get3A_228] {strides = array<i32>} : memref<640x64xf32, #tpu.memory_space<vmem>>, vector<16xf32>,
        %get3A_230 = arith.index_cast %add3A_220 : i32 to index
        %get3A_231 = arith.constant 48 : index
        %get3A_232 = tpu.vector_load %arg10[%get3A_230, %get3A_231] {strides = array<i32>} : memref<640x64xf32, #tpu.memory_space<vmem>>, vector<16xf32>,
        %mul3A_233 = arith.mulf %get3A_110, %get3A_223 : vector<16xf32>
        %mul3A_234 = arith.mulf %get3A_113, %get3A_226 : vector<16xf32>
        %add3A_235 = arith.addf %mul3A_233, %mul3A_234 : vector<16xf32>
        %mul3A_236 = arith.mulf %get3A_116, %get3A_229 : vector<16xf32>
        %mul3A_237 = arith.mulf %get3A_119, %get3A_232 : vector<16xf32>
        %add3A_238 = arith.addf %mul3A_236, %mul3A_237 : vector<16xf32>
        %add3A_239 = arith.addf %add3A_235, %add3A_238 : vector<16xf32>
        %reduce_sum3A_240 = arith.constant true
        %reduce_sum3A_241 = vector.broadcast %reduce_sum3A_240 : i1 to vector<16xi1>
        %reduce_sum3A_242 = tpu.scan <sum>, %add3A_239 masked %reduce_sum3A_241 : vector<16xf32>, vector<16xi1> -> vector<16xf32>
        %reduce_sum3A_243 = vector.extract %reduce_sum3A_242[15] : f32 from vector<16xf32>
        %eq3A_244 = arith.constant 3 : i32
        %eq3A_245 = vector.broadcast %eq3A_244 : i32 to vector<16xi32>
        %eq3A_246 = arith.cmpi eq, %iota3A, %eq3A_245 : vector<16xi32>
        %broadcast_in_dim3A_247 = vector.broadcast %reduce_sum3A_243 : f32 to vector<16xf32>
        %select_n3A_248 = arith.select %eq3A_246, %broadcast_in_dim3A_247, %select_n3A_216 : vector<16xi1>, vector<16xf32>
        %mul3A_249 = arith.constant 20 : i32
        %mul3A_250 = arith.muli %scan3A_107, %mul3A_249 : i32
        %add3A_251 = arith.constant 4 : i32
        %add3A_252 = arith.addi %mul3A_250, %add3A_251 : i32
        %get3A_253 = arith.index_cast %add3A_252 : i32 to index
        %get3A_254 = arith.constant 0 : index
        %get3A_255 = tpu.vector_load %arg10[%get3A_253, %get3A_254] {strides = array<i32>} : memref<640x64xf32, #tpu.memory_space<vmem>>, vector<16xf32>,
        %get3A_256 = arith.index_cast %add3A_252 : i32 to index
        %get3A_257 = arith.constant 16 : index
        %get3A_258 = tpu.vector_load %arg10[%get3A_256, %get3A_257] {strides = array<i32>} : memref<640x64xf32, #tpu.memory_space<vmem>>, vector<16xf32>,
        %get3A_259 = arith.index_cast %add3A_252 : i32 to index
        %get3A_260 = arith.constant 32 : index
        %get3A_261 = tpu.vector_load %arg10[%get3A_259, %get3A_260] {strides = array<i32>} : memref<640x64xf32, #tpu.memory_space<vmem>>, vector<16xf32>,
        %get3A_262 = arith.index_cast %add3A_252 : i32 to index
        %get3A_263 = arith.constant 48 : index
        %get3A_264 = tpu.vector_load %arg10[%get3A_262, %get3A_263] {strides = array<i32>} : memref<640x64xf32, #tpu.memory_space<vmem>>, vector<16xf32>,
        %mul3A_265 = arith.mulf %get3A_110, %get3A_255 : vector<16xf32>
        %mul3A_266 = arith.mulf %get3A_113, %get3A_258 : vector<16xf32>
        %add3A_267 = arith.addf %mul3A_265, %mul3A_266 : vector<16xf32>
        %mul3A_268 = arith.mulf %get3A_116, %get3A_261 : vector<16xf32>
        %mul3A_269 = arith.mulf %get3A_119, %get3A_264 : vector<16xf32>
        %add3A_270 = arith.addf %mul3A_268, %mul3A_269 : vector<16xf32>
        %add3A_271 = arith.addf %add3A_267, %add3A_270 : vector<16xf32>
        %reduce_sum3A_272 = arith.constant true
        %reduce_sum3A_273 = vector.broadcast %reduce_sum3A_272 : i1 to vector<16xi1>
        %reduce_sum3A_274 = tpu.scan <sum>, %add3A_271 masked %reduce_sum3A_273 : vector<16xf32>, vector<16xi1> -> vector<16xf32>
        %reduce_sum3A_275 = vector.extract %reduce_sum3A_274[15] : f32 from vector<16xf32>
        %eq3A_276 = arith.constant 4 : i32
        %eq3A_277 = vector.broadcast %eq3A_276 : i32 to vector<16xi32>
        %eq3A_278 = arith.cmpi eq, %iota3A, %eq3A_277 : vector<16xi32>
        %broadcast_in_dim3A_279 = vector.broadcast %reduce_sum3A_275 : f32 to vector<16xf32>
        %select_n3A_280 = arith.select %eq3A_278, %broadcast_in_dim3A_279, %select_n3A_248 : vector<16xi1>, vector<16xf32>
        %mul3A_281 = arith.constant 20 : i32
        %mul3A_282 = arith.muli %scan3A_107, %mul3A_281 : i32
        %add3A_283 = arith.constant 5 : i32
        %add3A_284 = arith.addi %mul3A_282, %add3A_283 : i32
        %get3A_285 = arith.index_cast %add3A_284 : i32 to index
        %get3A_286 = arith.constant 0 : index
        %get3A_287 = tpu.vector_load %arg10[%get3A_285, %get3A_286] {strides = array<i32>} : memref<640x64xf32, #tpu.memory_space<vmem>>, vector<16xf32>,
        %get3A_288 = arith.index_cast %add3A_284 : i32 to index
        %get3A_289 = arith.constant 16 : index
        %get3A_290 = tpu.vector_load %arg10[%get3A_288, %get3A_289] {strides = array<i32>} : memref<640x64xf32, #tpu.memory_space<vmem>>, vector<16xf32>,
        %get3A_291 = arith.index_cast %add3A_284 : i32 to index
        %get3A_292 = arith.constant 32 : index
        %get3A_293 = tpu.vector_load %arg10[%get3A_291, %get3A_292] {strides = array<i32>} : memref<640x64xf32, #tpu.memory_space<vmem>>, vector<16xf32>,
        %get3A_294 = arith.index_cast %add3A_284 : i32 to index
        %get3A_295 = arith.constant 48 : index
        %get3A_296 = tpu.vector_load %arg10[%get3A_294, %get3A_295] {strides = array<i32>} : memref<640x64xf32, #tpu.memory_space<vmem>>, vector<16xf32>,
        %mul3A_297 = arith.mulf %get3A_110, %get3A_287 : vector<16xf32>
        %mul3A_298 = arith.mulf %get3A_113, %get3A_290 : vector<16xf32>
        %add3A_299 = arith.addf %mul3A_297, %mul3A_298 : vector<16xf32>
        %mul3A_300 = arith.mulf %get3A_116, %get3A_293 : vector<16xf32>
        %mul3A_301 = arith.mulf %get3A_119, %get3A_296 : vector<16xf32>
        %add3A_302 = arith.addf %mul3A_300, %mul3A_301 : vector<16xf32>
        %add3A_303 = arith.addf %add3A_299, %add3A_302 : vector<16xf32>
        %reduce_sum3A_304 = arith.constant true
        %reduce_sum3A_305 = vector.broadcast %reduce_sum3A_304 : i1 to vector<16xi1>
        %reduce_sum3A_306 = tpu.scan <sum>, %add3A_303 masked %reduce_sum3A_305 : vector<16xf32>, vector<16xi1> -> vector<16xf32>
        %reduce_sum3A_307 = vector.extract %reduce_sum3A_306[15] : f32 from vector<16xf32>
        %eq3A_308 = arith.constant 5 : i32
        %eq3A_309 = vector.broadcast %eq3A_308 : i32 to vector<16xi32>
        %eq3A_310 = arith.cmpi eq, %iota3A, %eq3A_309 : vector<16xi32>
        %broadcast_in_dim3A_311 = vector.broadcast %reduce_sum3A_307 : f32 to vector<16xf32>
        %select_n3A_312 = arith.select %eq3A_310, %broadcast_in_dim3A_311, %select_n3A_280 : vector<16xi1>, vector<16xf32>
        %mul3A_313 = arith.constant 20 : i32
        %mul3A_314 = arith.muli %scan3A_107, %mul3A_313 : i32
        %add3A_315 = arith.constant 6 : i32
        %add3A_316 = arith.addi %mul3A_314, %add3A_315 : i32
        %get3A_317 = arith.index_cast %add3A_316 : i32 to index
        %get3A_318 = arith.constant 0 : index
        %get3A_319 = tpu.vector_load %arg10[%get3A_317, %get3A_318] {strides = array<i32>} : memref<640x64xf32, #tpu.memory_space<vmem>>, vector<16xf32>,
        %get3A_320 = arith.index_cast %add3A_316 : i32 to index
        %get3A_321 = arith.constant 16 : index
        %get3A_322 = tpu.vector_load %arg10[%get3A_320, %get3A_321] {strides = array<i32>} : memref<640x64xf32, #tpu.memory_space<vmem>>, vector<16xf32>,
        %get3A_323 = arith.index_cast %add3A_316 : i32 to index
        %get3A_324 = arith.constant 32 : index
        %get3A_325 = tpu.vector_load %arg10[%get3A_323, %get3A_324] {strides = array<i32>} : memref<640x64xf32, #tpu.memory_space<vmem>>, vector<16xf32>,
        %get3A_326 = arith.index_cast %add3A_316 : i32 to index
        %get3A_327 = arith.constant 48 : index
        %get3A_328 = tpu.vector_load %arg10[%get3A_326, %get3A_327] {strides = array<i32>} : memref<640x64xf32, #tpu.memory_space<vmem>>, vector<16xf32>,
        %mul3A_329 = arith.mulf %get3A_110, %get3A_319 : vector<16xf32>
        %mul3A_330 = arith.mulf %get3A_113, %get3A_322 : vector<16xf32>
        %add3A_331 = arith.addf %mul3A_329, %mul3A_330 : vector<16xf32>
        %mul3A_332 = arith.mulf %get3A_116, %get3A_325 : vector<16xf32>
        %mul3A_333 = arith.mulf %get3A_119, %get3A_328 : vector<16xf32>
        %add3A_334 = arith.addf %mul3A_332, %mul3A_333 : vector<16xf32>
        %add3A_335 = arith.addf %add3A_331, %add3A_334 : vector<16xf32>
        %reduce_sum3A_336 = arith.constant true
        %reduce_sum3A_337 = vector.broadcast %reduce_sum3A_336 : i1 to vector<16xi1>
        %reduce_sum3A_338 = tpu.scan <sum>, %add3A_335 masked %reduce_sum3A_337 : vector<16xf32>, vector<16xi1> -> vector<16xf32>
        %reduce_sum3A_339 = vector.extract %reduce_sum3A_338[15] : f32 from vector<16xf32>
        %eq3A_340 = arith.constant 6 : i32
        %eq3A_341 = vector.broadcast %eq3A_340 : i32 to vector<16xi32>
        %eq3A_342 = arith.cmpi eq, %iota3A, %eq3A_341 : vector<16xi32>
        %broadcast_in_dim3A_343 = vector.broadcast %reduce_sum3A_339 : f32 to vector<16xf32>
        %select_n3A_344 = arith.select %eq3A_342, %broadcast_in_dim3A_343, %select_n3A_312 : vector<16xi1>, vector<16xf32>
        %mul3A_345 = arith.constant 20 : i32
        %mul3A_346 = arith.muli %scan3A_107, %mul3A_345 : i32
        %add3A_347 = arith.constant 7 : i32
        %add3A_348 = arith.addi %mul3A_346, %add3A_347 : i32
        %get3A_349 = arith.index_cast %add3A_348 : i32 to index
        %get3A_350 = arith.constant 0 : index
        %get3A_351 = tpu.vector_load %arg10[%get3A_349, %get3A_350] {strides = array<i32>} : memref<640x64xf32, #tpu.memory_space<vmem>>, vector<16xf32>,
        %get3A_352 = arith.index_cast %add3A_348 : i32 to index
        %get3A_353 = arith.constant 16 : index
        %get3A_354 = tpu.vector_load %arg10[%get3A_352, %get3A_353] {strides = array<i32>} : memref<640x64xf32, #tpu.memory_space<vmem>>, vector<16xf32>,
        %get3A_355 = arith.index_cast %add3A_348 : i32 to index
        %get3A_356 = arith.constant 32 : index
        %get3A_357 = tpu.vector_load %arg10[%get3A_355, %get3A_356] {strides = array<i32>} : memref<640x64xf32, #tpu.memory_space<vmem>>, vector<16xf32>,
        %get3A_358 = arith.index_cast %add3A_348 : i32 to index
        %get3A_359 = arith.constant 48 : index
        %get3A_360 = tpu.vector_load %arg10[%get3A_358, %get3A_359] {strides = array<i32>} : memref<640x64xf32, #tpu.memory_space<vmem>>, vector<16xf32>,
        %mul3A_361 = arith.mulf %get3A_110, %get3A_351 : vector<16xf32>
        %mul3A_362 = arith.mulf %get3A_113, %get3A_354 : vector<16xf32>
        %add3A_363 = arith.addf %mul3A_361, %mul3A_362 : vector<16xf32>
        %mul3A_364 = arith.mulf %get3A_116, %get3A_357 : vector<16xf32>
        %mul3A_365 = arith.mulf %get3A_119, %get3A_360 : vector<16xf32>
        %add3A_366 = arith.addf %mul3A_364, %mul3A_365 : vector<16xf32>
        %add3A_367 = arith.addf %add3A_363, %add3A_366 : vector<16xf32>
        %reduce_sum3A_368 = arith.constant true
        %reduce_sum3A_369 = vector.broadcast %reduce_sum3A_368 : i1 to vector<16xi1>
        %reduce_sum3A_370 = tpu.scan <sum>, %add3A_367 masked %reduce_sum3A_369 : vector<16xf32>, vector<16xi1> -> vector<16xf32>
        %reduce_sum3A_371 = vector.extract %reduce_sum3A_370[15] : f32 from vector<16xf32>
        %eq3A_372 = arith.constant 7 : i32
        %eq3A_373 = vector.broadcast %eq3A_372 : i32 to vector<16xi32>
        %eq3A_374 = arith.cmpi eq, %iota3A, %eq3A_373 : vector<16xi32>
        %broadcast_in_dim3A_375 = vector.broadcast %reduce_sum3A_371 : f32 to vector<16xf32>
        %select_n3A_376 = arith.select %eq3A_374, %broadcast_in_dim3A_375, %select_n3A_344 : vector<16xi1>, vector<16xf32>
        %mul3A_377 = arith.constant 20 : i32
        %mul3A_378 = arith.muli %scan3A_107, %mul3A_377 : i32
        %add3A_379 = arith.constant 8 : i32
        %add3A_380 = arith.addi %mul3A_378, %add3A_379 : i32
        %get3A_381 = arith.index_cast %add3A_380 : i32 to index
        %get3A_382 = arith.constant 0 : index
        %get3A_383 = tpu.vector_load %arg10[%get3A_381, %get3A_382] {strides = array<i32>} : memref<640x64xf32, #tpu.memory_space<vmem>>, vector<16xf32>,
        %get3A_384 = arith.index_cast %add3A_380 : i32 to index
        %get3A_385 = arith.constant 16 : index
        %get3A_386 = tpu.vector_load %arg10[%get3A_384, %get3A_385] {strides = array<i32>} : memref<640x64xf32, #tpu.memory_space<vmem>>, vector<16xf32>,
        %get3A_387 = arith.index_cast %add3A_380 : i32 to index
        %get3A_388 = arith.constant 32 : index
        %get3A_389 = tpu.vector_load %arg10[%get3A_387, %get3A_388] {strides = array<i32>} : memref<640x64xf32, #tpu.memory_space<vmem>>, vector<16xf32>,
        %get3A_390 = arith.index_cast %add3A_380 : i32 to index
        %get3A_391 = arith.constant 48 : index
        %get3A_392 = tpu.vector_load %arg10[%get3A_390, %get3A_391] {strides = array<i32>} : memref<640x64xf32, #tpu.memory_space<vmem>>, vector<16xf32>,
        %mul3A_393 = arith.mulf %get3A_110, %get3A_383 : vector<16xf32>
        %mul3A_394 = arith.mulf %get3A_113, %get3A_386 : vector<16xf32>
        %add3A_395 = arith.addf %mul3A_393, %mul3A_394 : vector<16xf32>
        %mul3A_396 = arith.mulf %get3A_116, %get3A_389 : vector<16xf32>
        %mul3A_397 = arith.mulf %get3A_119, %get3A_392 : vector<16xf32>
        %add3A_398 = arith.addf %mul3A_396, %mul3A_397 : vector<16xf32>
        %add3A_399 = arith.addf %add3A_395, %add3A_398 : vector<16xf32>
        %reduce_sum3A_400 = arith.constant true
        %reduce_sum3A_401 = vector.broadcast %reduce_sum3A_400 : i1 to vector<16xi1>
        %reduce_sum3A_402 = tpu.scan <sum>, %add3A_399 masked %reduce_sum3A_401 : vector<16xf32>, vector<16xi1> -> vector<16xf32>
        %reduce_sum3A_403 = vector.extract %reduce_sum3A_402[15] : f32 from vector<16xf32>
        %eq3A_404 = arith.constant 8 : i32
        %eq3A_405 = vector.broadcast %eq3A_404 : i32 to vector<16xi32>
        %eq3A_406 = arith.cmpi eq, %iota3A, %eq3A_405 : vector<16xi32>
        %broadcast_in_dim3A_407 = vector.broadcast %reduce_sum3A_403 : f32 to vector<16xf32>
        %select_n3A_408 = arith.select %eq3A_406, %broadcast_in_dim3A_407, %select_n3A_376 : vector<16xi1>, vector<16xf32>
        %mul3A_409 = arith.constant 20 : i32
        %mul3A_410 = arith.muli %scan3A_107, %mul3A_409 : i32
        %add3A_411 = arith.constant 9 : i32
        %add3A_412 = arith.addi %mul3A_410, %add3A_411 : i32
        %get3A_413 = arith.index_cast %add3A_412 : i32 to index
        %get3A_414 = arith.constant 0 : index
        %get3A_415 = tpu.vector_load %arg10[%get3A_413, %get3A_414] {strides = array<i32>} : memref<640x64xf32, #tpu.memory_space<vmem>>, vector<16xf32>,
        %get3A_416 = arith.index_cast %add3A_412 : i32 to index
        %get3A_417 = arith.constant 16 : index
        %get3A_418 = tpu.vector_load %arg10[%get3A_416, %get3A_417] {strides = array<i32>} : memref<640x64xf32, #tpu.memory_space<vmem>>, vector<16xf32>,
        %get3A_419 = arith.index_cast %add3A_412 : i32 to index
        %get3A_420 = arith.constant 32 : index
        %get3A_421 = tpu.vector_load %arg10[%get3A_419, %get3A_420] {strides = array<i32>} : memref<640x64xf32, #tpu.memory_space<vmem>>, vector<16xf32>,
        %get3A_422 = arith.index_cast %add3A_412 : i32 to index
        %get3A_423 = arith.constant 48 : index
        %get3A_424 = tpu.vector_load %arg10[%get3A_422, %get3A_423] {strides = array<i32>} : memref<640x64xf32, #tpu.memory_space<vmem>>, vector<16xf32>,
        %mul3A_425 = arith.mulf %get3A_110, %get3A_415 : vector<16xf32>
        %mul3A_426 = arith.mulf %get3A_113, %get3A_418 : vector<16xf32>
        %add3A_427 = arith.addf %mul3A_425, %mul3A_426 : vector<16xf32>
        %mul3A_428 = arith.mulf %get3A_116, %get3A_421 : vector<16xf32>
        %mul3A_429 = arith.mulf %get3A_119, %get3A_424 : vector<16xf32>
        %add3A_430 = arith.addf %mul3A_428, %mul3A_429 : vector<16xf32>
        %add3A_431 = arith.addf %add3A_427, %add3A_430 : vector<16xf32>
        %reduce_sum3A_432 = arith.constant true
        %reduce_sum3A_433 = vector.broadcast %reduce_sum3A_432 : i1 to vector<16xi1>
        %reduce_sum3A_434 = tpu.scan <sum>, %add3A_431 masked %reduce_sum3A_433 : vector<16xf32>, vector<16xi1> -> vector<16xf32>
        %reduce_sum3A_435 = vector.extract %reduce_sum3A_434[15] : f32 from vector<16xf32>
        %eq3A_436 = arith.constant 9 : i32
        %eq3A_437 = vector.broadcast %eq3A_436 : i32 to vector<16xi32>
        %eq3A_438 = arith.cmpi eq, %iota3A, %eq3A_437 : vector<16xi32>
        %broadcast_in_dim3A_439 = vector.broadcast %reduce_sum3A_435 : f32 to vector<16xf32>
        %select_n3A_440 = arith.select %eq3A_438, %broadcast_in_dim3A_439, %select_n3A_408 : vector<16xi1>, vector<16xf32>
        %mul3A_441 = arith.constant 20 : i32
        %mul3A_442 = arith.muli %scan3A_107, %mul3A_441 : i32
        %add3A_443 = arith.constant 10 : i32
        %add3A_444 = arith.addi %mul3A_442, %add3A_443 : i32
        %get3A_445 = arith.index_cast %add3A_444 : i32 to index
        %get3A_446 = arith.constant 0 : index
        %get3A_447 = tpu.vector_load %arg10[%get3A_445, %get3A_446] {strides = array<i32>} : memref<640x64xf32, #tpu.memory_space<vmem>>, vector<16xf32>,
        %get3A_448 = arith.index_cast %add3A_444 : i32 to index
        %get3A_449 = arith.constant 16 : index
        %get3A_450 = tpu.vector_load %arg10[%get3A_448, %get3A_449] {strides = array<i32>} : memref<640x64xf32, #tpu.memory_space<vmem>>, vector<16xf32>,
        %get3A_451 = arith.index_cast %add3A_444 : i32 to index
        %get3A_452 = arith.constant 32 : index
        %get3A_453 = tpu.vector_load %arg10[%get3A_451, %get3A_452] {strides = array<i32>} : memref<640x64xf32, #tpu.memory_space<vmem>>, vector<16xf32>,
        %get3A_454 = arith.index_cast %add3A_444 : i32 to index
        %get3A_455 = arith.constant 48 : index
        %get3A_456 = tpu.vector_load %arg10[%get3A_454, %get3A_455] {strides = array<i32>} : memref<640x64xf32, #tpu.memory_space<vmem>>, vector<16xf32>,
        %mul3A_457 = arith.mulf %get3A_110, %get3A_447 : vector<16xf32>
        %mul3A_458 = arith.mulf %get3A_113, %get3A_450 : vector<16xf32>
        %add3A_459 = arith.addf %mul3A_457, %mul3A_458 : vector<16xf32>
        %mul3A_460 = arith.mulf %get3A_116, %get3A_453 : vector<16xf32>
        %mul3A_461 = arith.mulf %get3A_119, %get3A_456 : vector<16xf32>
        %add3A_462 = arith.addf %mul3A_460, %mul3A_461 : vector<16xf32>
        %add3A_463 = arith.addf %add3A_459, %add3A_462 : vector<16xf32>
        %reduce_sum3A_464 = arith.constant true
        %reduce_sum3A_465 = vector.broadcast %reduce_sum3A_464 : i1 to vector<16xi1>
        %reduce_sum3A_466 = tpu.scan <sum>, %add3A_463 masked %reduce_sum3A_465 : vector<16xf32>, vector<16xi1> -> vector<16xf32>
        %reduce_sum3A_467 = vector.extract %reduce_sum3A_466[15] : f32 from vector<16xf32>
        %eq3A_468 = arith.constant 10 : i32
        %eq3A_469 = vector.broadcast %eq3A_468 : i32 to vector<16xi32>
        %eq3A_470 = arith.cmpi eq, %iota3A, %eq3A_469 : vector<16xi32>
        %broadcast_in_dim3A_471 = vector.broadcast %reduce_sum3A_467 : f32 to vector<16xf32>
        %select_n3A_472 = arith.select %eq3A_470, %broadcast_in_dim3A_471, %select_n3A_440 : vector<16xi1>, vector<16xf32>
        %mul3A_473 = arith.constant 20 : i32
        %mul3A_474 = arith.muli %scan3A_107, %mul3A_473 : i32
        %add3A_475 = arith.constant 11 : i32
        %add3A_476 = arith.addi %mul3A_474, %add3A_475 : i32
        %get3A_477 = arith.index_cast %add3A_476 : i32 to index
        %get3A_478 = arith.constant 0 : index
        %get3A_479 = tpu.vector_load %arg10[%get3A_477, %get3A_478] {strides = array<i32>} : memref<640x64xf32, #tpu.memory_space<vmem>>, vector<16xf32>,
        %get3A_480 = arith.index_cast %add3A_476 : i32 to index
        %get3A_481 = arith.constant 16 : index
        %get3A_482 = tpu.vector_load %arg10[%get3A_480, %get3A_481] {strides = array<i32>} : memref<640x64xf32, #tpu.memory_space<vmem>>, vector<16xf32>,
        %get3A_483 = arith.index_cast %add3A_476 : i32 to index
        %get3A_484 = arith.constant 32 : index
        %get3A_485 = tpu.vector_load %arg10[%get3A_483, %get3A_484] {strides = array<i32>} : memref<640x64xf32, #tpu.memory_space<vmem>>, vector<16xf32>,
        %get3A_486 = arith.index_cast %add3A_476 : i32 to index
        %get3A_487 = arith.constant 48 : index
        %get3A_488 = tpu.vector_load %arg10[%get3A_486, %get3A_487] {strides = array<i32>} : memref<640x64xf32, #tpu.memory_space<vmem>>, vector<16xf32>,
        %mul3A_489 = arith.mulf %get3A_110, %get3A_479 : vector<16xf32>
        %mul3A_490 = arith.mulf %get3A_113, %get3A_482 : vector<16xf32>
        %add3A_491 = arith.addf %mul3A_489, %mul3A_490 : vector<16xf32>
        %mul3A_492 = arith.mulf %get3A_116, %get3A_485 : vector<16xf32>
        %mul3A_493 = arith.mulf %get3A_119, %get3A_488 : vector<16xf32>
        %add3A_494 = arith.addf %mul3A_492, %mul3A_493 : vector<16xf32>
        %add3A_495 = arith.addf %add3A_491, %add3A_494 : vector<16xf32>
        %reduce_sum3A_496 = arith.constant true
        %reduce_sum3A_497 = vector.broadcast %reduce_sum3A_496 : i1 to vector<16xi1>
        %reduce_sum3A_498 = tpu.scan <sum>, %add3A_495 masked %reduce_sum3A_497 : vector<16xf32>, vector<16xi1> -> vector<16xf32>
        %reduce_sum3A_499 = vector.extract %reduce_sum3A_498[15] : f32 from vector<16xf32>
        %eq3A_500 = arith.constant 11 : i32
        %eq3A_501 = vector.broadcast %eq3A_500 : i32 to vector<16xi32>
        %eq3A_502 = arith.cmpi eq, %iota3A, %eq3A_501 : vector<16xi32>
        %broadcast_in_dim3A_503 = vector.broadcast %reduce_sum3A_499 : f32 to vector<16xf32>
        %select_n3A_504 = arith.select %eq3A_502, %broadcast_in_dim3A_503, %select_n3A_472 : vector<16xi1>, vector<16xf32>
        %mul3A_505 = arith.constant 20 : i32
        %mul3A_506 = arith.muli %scan3A_107, %mul3A_505 : i32
        %add3A_507 = arith.constant 12 : i32
        %add3A_508 = arith.addi %mul3A_506, %add3A_507 : i32
        %get3A_509 = arith.index_cast %add3A_508 : i32 to index
        %get3A_510 = arith.constant 0 : index
        %get3A_511 = tpu.vector_load %arg10[%get3A_509, %get3A_510] {strides = array<i32>} : memref<640x64xf32, #tpu.memory_space<vmem>>, vector<16xf32>,
        %get3A_512 = arith.index_cast %add3A_508 : i32 to index
        %get3A_513 = arith.constant 16 : index
        %get3A_514 = tpu.vector_load %arg10[%get3A_512, %get3A_513] {strides = array<i32>} : memref<640x64xf32, #tpu.memory_space<vmem>>, vector<16xf32>,
        %get3A_515 = arith.index_cast %add3A_508 : i32 to index
        %get3A_516 = arith.constant 32 : index
        %get3A_517 = tpu.vector_load %arg10[%get3A_515, %get3A_516] {strides = array<i32>} : memref<640x64xf32, #tpu.memory_space<vmem>>, vector<16xf32>,
        %get3A_518 = arith.index_cast %add3A_508 : i32 to index
        %get3A_519 = arith.constant 48 : index
        %get3A_520 = tpu.vector_load %arg10[%get3A_518, %get3A_519] {strides = array<i32>} : memref<640x64xf32, #tpu.memory_space<vmem>>, vector<16xf32>,
        %mul3A_521 = arith.mulf %get3A_110, %get3A_511 : vector<16xf32>
        %mul3A_522 = arith.mulf %get3A_113, %get3A_514 : vector<16xf32>
        %add3A_523 = arith.addf %mul3A_521, %mul3A_522 : vector<16xf32>
        %mul3A_524 = arith.mulf %get3A_116, %get3A_517 : vector<16xf32>
        %mul3A_525 = arith.mulf %get3A_119, %get3A_520 : vector<16xf32>
        %add3A_526 = arith.addf %mul3A_524, %mul3A_525 : vector<16xf32>
        %add3A_527 = arith.addf %add3A_523, %add3A_526 : vector<16xf32>
        %reduce_sum3A_528 = arith.constant true
        %reduce_sum3A_529 = vector.broadcast %reduce_sum3A_528 : i1 to vector<16xi1>
        %reduce_sum3A_530 = tpu.scan <sum>, %add3A_527 masked %reduce_sum3A_529 : vector<16xf32>, vector<16xi1> -> vector<16xf32>
        %reduce_sum3A_531 = vector.extract %reduce_sum3A_530[15] : f32 from vector<16xf32>
        %eq3A_532 = arith.constant 12 : i32
        %eq3A_533 = vector.broadcast %eq3A_532 : i32 to vector<16xi32>
        %eq3A_534 = arith.cmpi eq, %iota3A, %eq3A_533 : vector<16xi32>
        %broadcast_in_dim3A_535 = vector.broadcast %reduce_sum3A_531 : f32 to vector<16xf32>
        %select_n3A_536 = arith.select %eq3A_534, %broadcast_in_dim3A_535, %select_n3A_504 : vector<16xi1>, vector<16xf32>
        %mul3A_537 = arith.constant 20 : i32
        %mul3A_538 = arith.muli %scan3A_107, %mul3A_537 : i32
        %add3A_539 = arith.constant 13 : i32
        %add3A_540 = arith.addi %mul3A_538, %add3A_539 : i32
        %get3A_541 = arith.index_cast %add3A_540 : i32 to index
        %get3A_542 = arith.constant 0 : index
        %get3A_543 = tpu.vector_load %arg10[%get3A_541, %get3A_542] {strides = array<i32>} : memref<640x64xf32, #tpu.memory_space<vmem>>, vector<16xf32>,
        %get3A_544 = arith.index_cast %add3A_540 : i32 to index
        %get3A_545 = arith.constant 16 : index
        %get3A_546 = tpu.vector_load %arg10[%get3A_544, %get3A_545] {strides = array<i32>} : memref<640x64xf32, #tpu.memory_space<vmem>>, vector<16xf32>,
        %get3A_547 = arith.index_cast %add3A_540 : i32 to index
        %get3A_548 = arith.constant 32 : index
        %get3A_549 = tpu.vector_load %arg10[%get3A_547, %get3A_548] {strides = array<i32>} : memref<640x64xf32, #tpu.memory_space<vmem>>, vector<16xf32>,
        %get3A_550 = arith.index_cast %add3A_540 : i32 to index
        %get3A_551 = arith.constant 48 : index
        %get3A_552 = tpu.vector_load %arg10[%get3A_550, %get3A_551] {strides = array<i32>} : memref<640x64xf32, #tpu.memory_space<vmem>>, vector<16xf32>,
        %mul3A_553 = arith.mulf %get3A_110, %get3A_543 : vector<16xf32>
        %mul3A_554 = arith.mulf %get3A_113, %get3A_546 : vector<16xf32>
        %add3A_555 = arith.addf %mul3A_553, %mul3A_554 : vector<16xf32>
        %mul3A_556 = arith.mulf %get3A_116, %get3A_549 : vector<16xf32>
        %mul3A_557 = arith.mulf %get3A_119, %get3A_552 : vector<16xf32>
        %add3A_558 = arith.addf %mul3A_556, %mul3A_557 : vector<16xf32>
        %add3A_559 = arith.addf %add3A_555, %add3A_558 : vector<16xf32>
        %reduce_sum3A_560 = arith.constant true
        %reduce_sum3A_561 = vector.broadcast %reduce_sum3A_560 : i1 to vector<16xi1>
        %reduce_sum3A_562 = tpu.scan <sum>, %add3A_559 masked %reduce_sum3A_561 : vector<16xf32>, vector<16xi1> -> vector<16xf32>
        %reduce_sum3A_563 = vector.extract %reduce_sum3A_562[15] : f32 from vector<16xf32>
        %eq3A_564 = arith.constant 13 : i32
        %eq3A_565 = vector.broadcast %eq3A_564 : i32 to vector<16xi32>
        %eq3A_566 = arith.cmpi eq, %iota3A, %eq3A_565 : vector<16xi32>
        %broadcast_in_dim3A_567 = vector.broadcast %reduce_sum3A_563 : f32 to vector<16xf32>
        %select_n3A_568 = arith.select %eq3A_566, %broadcast_in_dim3A_567, %select_n3A_536 : vector<16xi1>, vector<16xf32>
        %mul3A_569 = arith.constant 20 : i32
        %mul3A_570 = arith.muli %scan3A_107, %mul3A_569 : i32
        %add3A_571 = arith.constant 14 : i32
        %add3A_572 = arith.addi %mul3A_570, %add3A_571 : i32
        %get3A_573 = arith.index_cast %add3A_572 : i32 to index
        %get3A_574 = arith.constant 0 : index
        %get3A_575 = tpu.vector_load %arg10[%get3A_573, %get3A_574] {strides = array<i32>} : memref<640x64xf32, #tpu.memory_space<vmem>>, vector<16xf32>,
        %get3A_576 = arith.index_cast %add3A_572 : i32 to index
        %get3A_577 = arith.constant 16 : index
        %get3A_578 = tpu.vector_load %arg10[%get3A_576, %get3A_577] {strides = array<i32>} : memref<640x64xf32, #tpu.memory_space<vmem>>, vector<16xf32>,
        %get3A_579 = arith.index_cast %add3A_572 : i32 to index
        %get3A_580 = arith.constant 32 : index
        %get3A_581 = tpu.vector_load %arg10[%get3A_579, %get3A_580] {strides = array<i32>} : memref<640x64xf32, #tpu.memory_space<vmem>>, vector<16xf32>,
        %get3A_582 = arith.index_cast %add3A_572 : i32 to index
        %get3A_583 = arith.constant 48 : index
        %get3A_584 = tpu.vector_load %arg10[%get3A_582, %get3A_583] {strides = array<i32>} : memref<640x64xf32, #tpu.memory_space<vmem>>, vector<16xf32>,
        %mul3A_585 = arith.mulf %get3A_110, %get3A_575 : vector<16xf32>
        %mul3A_586 = arith.mulf %get3A_113, %get3A_578 : vector<16xf32>
        %add3A_587 = arith.addf %mul3A_585, %mul3A_586 : vector<16xf32>
        %mul3A_588 = arith.mulf %get3A_116, %get3A_581 : vector<16xf32>
        %mul3A_589 = arith.mulf %get3A_119, %get3A_584 : vector<16xf32>
        %add3A_590 = arith.addf %mul3A_588, %mul3A_589 : vector<16xf32>
        %add3A_591 = arith.addf %add3A_587, %add3A_590 : vector<16xf32>
        %reduce_sum3A_592 = arith.constant true
        %reduce_sum3A_593 = vector.broadcast %reduce_sum3A_592 : i1 to vector<16xi1>
        %reduce_sum3A_594 = tpu.scan <sum>, %add3A_591 masked %reduce_sum3A_593 : vector<16xf32>, vector<16xi1> -> vector<16xf32>
        %reduce_sum3A_595 = vector.extract %reduce_sum3A_594[15] : f32 from vector<16xf32>
        %eq3A_596 = arith.constant 14 : i32
        %eq3A_597 = vector.broadcast %eq3A_596 : i32 to vector<16xi32>
        %eq3A_598 = arith.cmpi eq, %iota3A, %eq3A_597 : vector<16xi32>
        %broadcast_in_dim3A_599 = vector.broadcast %reduce_sum3A_595 : f32 to vector<16xf32>
        %select_n3A_600 = arith.select %eq3A_598, %broadcast_in_dim3A_599, %select_n3A_568 : vector<16xi1>, vector<16xf32>
        %mul3A_601 = arith.constant 20 : i32
        %mul3A_602 = arith.muli %scan3A_107, %mul3A_601 : i32
        %add3A_603 = arith.constant 15 : i32
        %add3A_604 = arith.addi %mul3A_602, %add3A_603 : i32
        %get3A_605 = arith.index_cast %add3A_604 : i32 to index
        %get3A_606 = arith.constant 0 : index
        %get3A_607 = tpu.vector_load %arg10[%get3A_605, %get3A_606] {strides = array<i32>} : memref<640x64xf32, #tpu.memory_space<vmem>>, vector<16xf32>,
        %get3A_608 = arith.index_cast %add3A_604 : i32 to index
        %get3A_609 = arith.constant 16 : index
        %get3A_610 = tpu.vector_load %arg10[%get3A_608, %get3A_609] {strides = array<i32>} : memref<640x64xf32, #tpu.memory_space<vmem>>, vector<16xf32>,
        %get3A_611 = arith.index_cast %add3A_604 : i32 to index
        %get3A_612 = arith.constant 32 : index
        %get3A_613 = tpu.vector_load %arg10[%get3A_611, %get3A_612] {strides = array<i32>} : memref<640x64xf32, #tpu.memory_space<vmem>>, vector<16xf32>,
        %get3A_614 = arith.index_cast %add3A_604 : i32 to index
        %get3A_615 = arith.constant 48 : index
        %get3A_616 = tpu.vector_load %arg10[%get3A_614, %get3A_615] {strides = array<i32>} : memref<640x64xf32, #tpu.memory_space<vmem>>, vector<16xf32>,
        %mul3A_617 = arith.mulf %get3A_110, %get3A_607 : vector<16xf32>
        %mul3A_618 = arith.mulf %get3A_113, %get3A_610 : vector<16xf32>
        %add3A_619 = arith.addf %mul3A_617, %mul3A_618 : vector<16xf32>
        %mul3A_620 = arith.mulf %get3A_116, %get3A_613 : vector<16xf32>
        %mul3A_621 = arith.mulf %get3A_119, %get3A_616 : vector<16xf32>
        %add3A_622 = arith.addf %mul3A_620, %mul3A_621 : vector<16xf32>
        %add3A_623 = arith.addf %add3A_619, %add3A_622 : vector<16xf32>
        %reduce_sum3A_624 = arith.constant true
        %reduce_sum3A_625 = vector.broadcast %reduce_sum3A_624 : i1 to vector<16xi1>
        %reduce_sum3A_626 = tpu.scan <sum>, %add3A_623 masked %reduce_sum3A_625 : vector<16xf32>, vector<16xi1> -> vector<16xf32>
        %reduce_sum3A_627 = vector.extract %reduce_sum3A_626[15] : f32 from vector<16xf32>
        %eq3A_628 = arith.constant 15 : i32
        %eq3A_629 = vector.broadcast %eq3A_628 : i32 to vector<16xi32>
        %eq3A_630 = arith.cmpi eq, %iota3A, %eq3A_629 : vector<16xi32>
        %broadcast_in_dim3A_631 = vector.broadcast %reduce_sum3A_627 : f32 to vector<16xf32>
        %select_n3A_632 = arith.select %eq3A_630, %broadcast_in_dim3A_631, %select_n3A_600 : vector<16xi1>, vector<16xf32>
        %mul3A_633 = arith.constant 20 : i32
        %mul3A_634 = arith.muli %scan3A_107, %mul3A_633 : i32
        %add3A_635 = arith.constant 16 : i32
        %add3A_636 = arith.addi %mul3A_634, %add3A_635 : i32
        %get3A_637 = arith.index_cast %add3A_636 : i32 to index
        %get3A_638 = arith.constant 0 : index
        %get3A_639 = tpu.vector_load %arg10[%get3A_637, %get3A_638] {strides = array<i32>} : memref<640x64xf32, #tpu.memory_space<vmem>>, vector<16xf32>,
        %get3A_640 = arith.index_cast %add3A_636 : i32 to index
        %get3A_641 = arith.constant 16 : index
        %get3A_642 = tpu.vector_load %arg10[%get3A_640, %get3A_641] {strides = array<i32>} : memref<640x64xf32, #tpu.memory_space<vmem>>, vector<16xf32>,
        %get3A_643 = arith.index_cast %add3A_636 : i32 to index
        %get3A_644 = arith.constant 32 : index
        %get3A_645 = tpu.vector_load %arg10[%get3A_643, %get3A_644] {strides = array<i32>} : memref<640x64xf32, #tpu.memory_space<vmem>>, vector<16xf32>,
        %get3A_646 = arith.index_cast %add3A_636 : i32 to index
        %get3A_647 = arith.constant 48 : index
        %get3A_648 = tpu.vector_load %arg10[%get3A_646, %get3A_647] {strides = array<i32>} : memref<640x64xf32, #tpu.memory_space<vmem>>, vector<16xf32>,
        %mul3A_649 = arith.mulf %get3A_110, %get3A_639 : vector<16xf32>
        %mul3A_650 = arith.mulf %get3A_113, %get3A_642 : vector<16xf32>
        %add3A_651 = arith.addf %mul3A_649, %mul3A_650 : vector<16xf32>
        %mul3A_652 = arith.mulf %get3A_116, %get3A_645 : vector<16xf32>
        %mul3A_653 = arith.mulf %get3A_119, %get3A_648 : vector<16xf32>
        %add3A_654 = arith.addf %mul3A_652, %mul3A_653 : vector<16xf32>
        %add3A_655 = arith.addf %add3A_651, %add3A_654 : vector<16xf32>
        %reduce_sum3A_656 = arith.constant true
        %reduce_sum3A_657 = vector.broadcast %reduce_sum3A_656 : i1 to vector<16xi1>
        %reduce_sum3A_658 = tpu.scan <sum>, %add3A_655 masked %reduce_sum3A_657 : vector<16xf32>, vector<16xi1> -> vector<16xf32>
        %reduce_sum3A_659 = vector.extract %reduce_sum3A_658[15] : f32 from vector<16xf32>
        %eq3A_660 = arith.constant 0 : i32
        %eq3A_661 = vector.broadcast %eq3A_660 : i32 to vector<16xi32>
        %eq3A_662 = arith.cmpi eq, %iota3A, %eq3A_661 : vector<16xi32>
        %broadcast_in_dim3A_663 = vector.broadcast %reduce_sum3A_659 : f32 to vector<16xf32>
        %select_n3A_664 = arith.select %eq3A_662, %broadcast_in_dim3A_663, %broadcast_in_dim3A_123 : vector<16xi1>, vector<16xf32>
        %mul3A_665 = arith.constant 20 : i32
        %mul3A_666 = arith.muli %scan3A_107, %mul3A_665 : i32
        %add3A_667 = arith.constant 17 : i32
        %add3A_668 = arith.addi %mul3A_666, %add3A_667 : i32
        %get3A_669 = arith.index_cast %add3A_668 : i32 to index
        %get3A_670 = arith.constant 0 : index
        %get3A_671 = tpu.vector_load %arg10[%get3A_669, %get3A_670] {strides = array<i32>} : memref<640x64xf32, #tpu.memory_space<vmem>>, vector<16xf32>,
        %get3A_672 = arith.index_cast %add3A_668 : i32 to index
        %get3A_673 = arith.constant 16 : index
        %get3A_674 = tpu.vector_load %arg10[%get3A_672, %get3A_673] {strides = array<i32>} : memref<640x64xf32, #tpu.memory_space<vmem>>, vector<16xf32>,
        %get3A_675 = arith.index_cast %add3A_668 : i32 to index
        %get3A_676 = arith.constant 32 : index
        %get3A_677 = tpu.vector_load %arg10[%get3A_675, %get3A_676] {strides = array<i32>} : memref<640x64xf32, #tpu.memory_space<vmem>>, vector<16xf32>,
        %get3A_678 = arith.index_cast %add3A_668 : i32 to index
        %get3A_679 = arith.constant 48 : index
        %get3A_680 = tpu.vector_load %arg10[%get3A_678, %get3A_679] {strides = array<i32>} : memref<640x64xf32, #tpu.memory_space<vmem>>, vector<16xf32>,
        %mul3A_681 = arith.mulf %get3A_110, %get3A_671 : vector<16xf32>
        %mul3A_682 = arith.mulf %get3A_113, %get3A_674 : vector<16xf32>
        %add3A_683 = arith.addf %mul3A_681, %mul3A_682 : vector<16xf32>
        %mul3A_684 = arith.mulf %get3A_116, %get3A_677 : vector<16xf32>
        %mul3A_685 = arith.mulf %get3A_119, %get3A_680 : vector<16xf32>
        %add3A_686 = arith.addf %mul3A_684, %mul3A_685 : vector<16xf32>
        %add3A_687 = arith.addf %add3A_683, %add3A_686 : vector<16xf32>
        %reduce_sum3A_688 = arith.constant true
        %reduce_sum3A_689 = vector.broadcast %reduce_sum3A_688 : i1 to vector<16xi1>
        %reduce_sum3A_690 = tpu.scan <sum>, %add3A_687 masked %reduce_sum3A_689 : vector<16xf32>, vector<16xi1> -> vector<16xf32>
        %reduce_sum3A_691 = vector.extract %reduce_sum3A_690[15] : f32 from vector<16xf32>
        %eq3A_692 = arith.constant 1 : i32
        %eq3A_693 = vector.broadcast %eq3A_692 : i32 to vector<16xi32>
        %eq3A_694 = arith.cmpi eq, %iota3A, %eq3A_693 : vector<16xi32>
        %broadcast_in_dim3A_695 = vector.broadcast %reduce_sum3A_691 : f32 to vector<16xf32>
        %select_n3A_696 = arith.select %eq3A_694, %broadcast_in_dim3A_695, %select_n3A_664 : vector<16xi1>, vector<16xf32>
        %mul3A_697 = arith.constant 20 : i32
        %mul3A_698 = arith.muli %scan3A_107, %mul3A_697 : i32
        %add3A_699 = arith.constant 18 : i32
        %add3A_700 = arith.addi %mul3A_698, %add3A_699 : i32
        %get3A_701 = arith.index_cast %add3A_700 : i32 to index
        %get3A_702 = arith.constant 0 : index
        %get3A_703 = tpu.vector_load %arg10[%get3A_701, %get3A_702] {strides = array<i32>} : memref<640x64xf32, #tpu.memory_space<vmem>>, vector<16xf32>,
        %get3A_704 = arith.index_cast %add3A_700 : i32 to index
        %get3A_705 = arith.constant 16 : index
        %get3A_706 = tpu.vector_load %arg10[%get3A_704, %get3A_705] {strides = array<i32>} : memref<640x64xf32, #tpu.memory_space<vmem>>, vector<16xf32>,
        %get3A_707 = arith.index_cast %add3A_700 : i32 to index
        %get3A_708 = arith.constant 32 : index
        %get3A_709 = tpu.vector_load %arg10[%get3A_707, %get3A_708] {strides = array<i32>} : memref<640x64xf32, #tpu.memory_space<vmem>>, vector<16xf32>,
        %get3A_710 = arith.index_cast %add3A_700 : i32 to index
        %get3A_711 = arith.constant 48 : index
        %get3A_712 = tpu.vector_load %arg10[%get3A_710, %get3A_711] {strides = array<i32>} : memref<640x64xf32, #tpu.memory_space<vmem>>, vector<16xf32>,
        %mul3A_713 = arith.mulf %get3A_110, %get3A_703 : vector<16xf32>
        %mul3A_714 = arith.mulf %get3A_113, %get3A_706 : vector<16xf32>
        %add3A_715 = arith.addf %mul3A_713, %mul3A_714 : vector<16xf32>
        %mul3A_716 = arith.mulf %get3A_116, %get3A_709 : vector<16xf32>
        %mul3A_717 = arith.mulf %get3A_119, %get3A_712 : vector<16xf32>
        %add3A_718 = arith.addf %mul3A_716, %mul3A_717 : vector<16xf32>
        %add3A_719 = arith.addf %add3A_715, %add3A_718 : vector<16xf32>
        %reduce_sum3A_720 = arith.constant true
        %reduce_sum3A_721 = vector.broadcast %reduce_sum3A_720 : i1 to vector<16xi1>
        %reduce_sum3A_722 = tpu.scan <sum>, %add3A_719 masked %reduce_sum3A_721 : vector<16xf32>, vector<16xi1> -> vector<16xf32>
        %reduce_sum3A_723 = vector.extract %reduce_sum3A_722[15] : f32 from vector<16xf32>
        %eq3A_724 = arith.constant 2 : i32
        %eq3A_725 = vector.broadcast %eq3A_724 : i32 to vector<16xi32>
        %eq3A_726 = arith.cmpi eq, %iota3A, %eq3A_725 : vector<16xi32>
        %broadcast_in_dim3A_727 = vector.broadcast %reduce_sum3A_723 : f32 to vector<16xf32>
        %select_n3A_728 = arith.select %eq3A_726, %broadcast_in_dim3A_727, %select_n3A_696 : vector<16xi1>, vector<16xf32>
        %mul3A_729 = arith.constant 20 : i32
        %mul3A_730 = arith.muli %scan3A_107, %mul3A_729 : i32
        %add3A_731 = arith.constant 19 : i32
        %add3A_732 = arith.addi %mul3A_730, %add3A_731 : i32
        %get3A_733 = arith.index_cast %add3A_732 : i32 to index
        %get3A_734 = arith.constant 0 : index
        %get3A_735 = tpu.vector_load %arg10[%get3A_733, %get3A_734] {strides = array<i32>} : memref<640x64xf32, #tpu.memory_space<vmem>>, vector<16xf32>,
        %get3A_736 = arith.index_cast %add3A_732 : i32 to index
        %get3A_737 = arith.constant 16 : index
        %get3A_738 = tpu.vector_load %arg10[%get3A_736, %get3A_737] {strides = array<i32>} : memref<640x64xf32, #tpu.memory_space<vmem>>, vector<16xf32>,
        %get3A_739 = arith.index_cast %add3A_732 : i32 to index
        %get3A_740 = arith.constant 32 : index
        %get3A_741 = tpu.vector_load %arg10[%get3A_739, %get3A_740] {strides = array<i32>} : memref<640x64xf32, #tpu.memory_space<vmem>>, vector<16xf32>,
        %get3A_742 = arith.index_cast %add3A_732 : i32 to index
        %get3A_743 = arith.constant 48 : index
        %get3A_744 = tpu.vector_load %arg10[%get3A_742, %get3A_743] {strides = array<i32>} : memref<640x64xf32, #tpu.memory_space<vmem>>, vector<16xf32>,
        %mul3A_745 = arith.mulf %get3A_110, %get3A_735 : vector<16xf32>
        %mul3A_746 = arith.mulf %get3A_113, %get3A_738 : vector<16xf32>
        %add3A_747 = arith.addf %mul3A_745, %mul3A_746 : vector<16xf32>
        %mul3A_748 = arith.mulf %get3A_116, %get3A_741 : vector<16xf32>
        %mul3A_749 = arith.mulf %get3A_119, %get3A_744 : vector<16xf32>
        %add3A_750 = arith.addf %mul3A_748, %mul3A_749 : vector<16xf32>
        %add3A_751 = arith.addf %add3A_747, %add3A_750 : vector<16xf32>
        %reduce_sum3A_752 = arith.constant true
        %reduce_sum3A_753 = vector.broadcast %reduce_sum3A_752 : i1 to vector<16xi1>
        %reduce_sum3A_754 = tpu.scan <sum>, %add3A_751 masked %reduce_sum3A_753 : vector<16xf32>, vector<16xi1> -> vector<16xf32>
        %reduce_sum3A_755 = vector.extract %reduce_sum3A_754[15] : f32 from vector<16xf32>
        %eq3A_756 = arith.constant 3 : i32
        %eq3A_757 = vector.broadcast %eq3A_756 : i32 to vector<16xi32>
        %eq3A_758 = arith.cmpi eq, %iota3A, %eq3A_757 : vector<16xi32>
        %broadcast_in_dim3A_759 = vector.broadcast %reduce_sum3A_755 : f32 to vector<16xf32>
        %select_n3A_760 = arith.select %eq3A_758, %broadcast_in_dim3A_759, %select_n3A_728 : vector<16xi1>, vector<16xf32>
        %max3A = arith.maximumf %select_n3A_632, %select_n3A_760 : vector<16xf32>
        %reduce_max3A = arith.constant true
        %reduce_max3A_761 = vector.broadcast %reduce_max3A : i1 to vector<16xi1>
        %reduce_max3A_762 = tpu.scan <max>, %max3A masked %reduce_max3A_761 : vector<16xf32>, vector<16xi1> -> vector<16xf32>
        %reduce_max3A_763 = vector.extract %reduce_max3A_762[15] : f32 from vector<16xf32>
        %sub3A = vector.broadcast %reduce_max3A_763 : f32 to vector<16xf32>
        %sub3A_764 = arith.subf %select_n3A_632, %sub3A : vector<16xf32>
        %exp3A = math.exp %sub3A_764 : vector<16xf32>
        %sub3A_765 = vector.broadcast %reduce_max3A_763 : f32 to vector<16xf32>
        %sub3A_766 = arith.subf %select_n3A_760, %sub3A_765 : vector<16xf32>
        %exp3A_767 = math.exp %sub3A_766 : vector<16xf32>
        %add3A_768 = arith.addf %exp3A, %exp3A_767 : vector<16xf32>
        %reduce_sum3A_769 = arith.constant true
        %reduce_sum3A_770 = vector.broadcast %reduce_sum3A_769 : i1 to vector<16xi1>
        %reduce_sum3A_771 = tpu.scan <sum>, %add3A_768 masked %reduce_sum3A_770 : vector<16xf32>, vector<16xi1> -> vector<16xf32>
        %reduce_sum3A_772 = vector.extract %reduce_sum3A_771[15] : f32 from vector<16xf32>
        %broadcast_in_dim3A_773 = vector.broadcast %reduce_sum3A_772 : f32 to vector<16xf32>
        %bitcast_convert_type3A = tpu.bitcast %broadcast_in_dim3A_773 : vector<16xf32> -> vector<16xi32>
        %shift_right_arithmetic3A = arith.constant 23 : i32
        %shift_right_arithmetic3A_774 = vector.broadcast %shift_right_arithmetic3A : i32 to vector<16xi32>
        %shift_right_arithmetic3A_775 = arith.shrsi %bitcast_convert_type3A, %shift_right_arithmetic3A_774 : vector<16xi32>
        %and3A = arith.constant 255 : i32
        %and3A_776 = vector.broadcast %and3A : i32 to vector<16xi32>
        %and3A_777 = arith.andi %shift_right_arithmetic3A_775, %and3A_776 : vector<16xi32>
        %sub3A_778 = arith.constant 127 : i32
        %sub3A_779 = vector.broadcast %sub3A_778 : i32 to vector<16xi32>
        %sub3A_780 = arith.subi %and3A_777, %sub3A_779 : vector<16xi32>
        %and3A_781 = arith.constant 8388607 : i32
        %and3A_782 = vector.broadcast %and3A_781 : i32 to vector<16xi32>
        %and3A_783 = arith.andi %bitcast_convert_type3A, %and3A_782 : vector<16xi32>
        %or3A = arith.constant 1065353216 : i32
        %or3A_784 = vector.broadcast %or3A : i32 to vector<16xi32>
        %or3A_785 = arith.ori %and3A_783, %or3A_784 : vector<16xi32>
        %bitcast_convert_type3A_786 = tpu.bitcast %or3A_785 : vector<16xi32> -> vector<16xf32>
        %gt3A = arith.constant 1.41421354 : f32
        %gt3A_787 = vector.broadcast %gt3A : f32 to vector<16xf32>
        %gt3A_788 = arith.cmpf ogt, %bitcast_convert_type3A_786, %gt3A_787 : vector<16xf32>
        %mul3A_789 = arith.constant 5.000000e-01 : f32
        %mul3A_790 = vector.broadcast %mul3A_789 : f32 to vector<16xf32>
        %mul3A_791 = arith.mulf %bitcast_convert_type3A_786, %mul3A_790 : vector<16xf32>
        %select_n3A_792 = arith.select %gt3A_788, %mul3A_791, %bitcast_convert_type3A_786 : vector<16xi1>, vector<16xf32>
        %convert_element_type3A = arith.extui %gt3A_788 : vector<16xi1> to vector<16xi32>
        %add3A_793 = arith.addi %sub3A_780, %convert_element_type3A : vector<16xi32>
        %convert_element_type3A_794 = arith.sitofp %add3A_793 : vector<16xi32> to vector<16xf32>
        %sub3A_795 = arith.constant 1.000000e+00 : f32
        %sub3A_796 = vector.broadcast %sub3A_795 : f32 to vector<16xf32>
        %sub3A_797 = arith.subf %select_n3A_792, %sub3A_796 : vector<16xf32>
        %add3A_798 = arith.constant 2.000000e+00 : f32
        %add3A_799 = vector.broadcast %add3A_798 : f32 to vector<16xf32>
        %add3A_800 = arith.addf %sub3A_797, %add3A_799 : vector<16xf32>
        %div3A = arith.divf %sub3A_797, %add3A_800 : vector<16xf32>
        %mul3A_801 = arith.mulf %div3A, %div3A : vector<16xf32>
        %mul3A_802 = arith.constant 2.000000e+00 : f32
        %mul3A_803 = vector.broadcast %mul3A_802 : f32 to vector<16xf32>
        %mul3A_804 = arith.mulf %mul3A_803, %div3A : vector<16xf32>
        %mul3A_805 = arith.constant 0.142857149 : f32
        %mul3A_806 = vector.broadcast %mul3A_805 : f32 to vector<16xf32>
        %mul3A_807 = arith.mulf %mul3A_801, %mul3A_806 : vector<16xf32>
        %add3A_808 = arith.constant 2.000000e-01 : f32
        %add3A_809 = vector.broadcast %add3A_808 : f32 to vector<16xf32>
        %add3A_810 = arith.addf %add3A_809, %mul3A_807 : vector<16xf32>
        %mul3A_811 = arith.mulf %mul3A_801, %add3A_810 : vector<16xf32>
        %add3A_812 = arith.constant 0.333333343 : f32
        %add3A_813 = vector.broadcast %add3A_812 : f32 to vector<16xf32>
        %add3A_814 = arith.addf %add3A_813, %mul3A_811 : vector<16xf32>
        %mul3A_815 = arith.mulf %mul3A_801, %add3A_814 : vector<16xf32>
        %add3A_816 = arith.constant 1.000000e+00 : f32
        %add3A_817 = vector.broadcast %add3A_816 : f32 to vector<16xf32>
        %add3A_818 = arith.addf %add3A_817, %mul3A_815 : vector<16xf32>
        %mul3A_819 = arith.mulf %mul3A_804, %add3A_818 : vector<16xf32>
        %mul3A_820 = arith.constant 0.693147182 : f32
        %mul3A_821 = vector.broadcast %mul3A_820 : f32 to vector<16xf32>
        %mul3A_822 = arith.mulf %convert_element_type3A_794, %mul3A_821 : vector<16xf32>
        %add3A_823 = arith.addf %mul3A_822, %mul3A_819 : vector<16xf32>
        %sub3A_824 = arith.subf %reduce_max3A_763, %reduce_sum3A_149 : f32
        %add3A_825 = vector.broadcast %sub3A_824 : f32 to vector<16xf32>
        %add3A_826 = arith.addf %add3A_823, %add3A_825 : vector<16xf32>
        %add3A_827 = arith.addf %scan3A_108, %add3A_826 : vector<16xf32>
        scf.yield %add3A_827 : vector<16xf32>
      }
      %scan3A_106 = arith.constant 32 : i32
      scf.yield %scan3A_105 : vector<16xf32>
    }
    %scan3A_6 = arith.constant 16 : i32
    %swap3A = arith.constant 0 : index
    %swap3A_7 = tpu.vector_load %arg11[%swap3A] {strides = array<i32>} : memref<16xf32, #tpu.memory_space<vmem>>, vector<16xf32>,
    tpu.vector_store %arg11[%swap3A], %scan3A_5 {strides = array<i32>} : memref<16xf32, #tpu.memory_space<vmem>>, vector<16xf32>,
    "tpu.region"() ({
      %run_scoped3A = tpu.sem_alloc : memref<!tpu.dma_semaphore, #tpu.memory_space<semaphore_mem>>
      %dma_start3A = arith.constant 0 : i32
      %dma_start3A_8 = tpu.memref_slice %arg6[%add3A, %dma_start3A] : memref<32x16xf32, #tpu.memory_space<hbm>> -> memref<1x16xf32, #tpu.memory_space<hbm>>
      %dma_start3A_9 = tpu.memref_squeeze %dma_start3A_8 : memref<1x16xf32, #tpu.memory_space<hbm>> -> memref<16xf32, #tpu.memory_space<hbm>>
      %dma_start3A_10 = arith.constant 0 : i32
      %dma_start3A_11 = tpu.memref_slice %arg6[%add3A, %dma_start3A_10] : memref<32x16xf32, #tpu.memory_space<hbm>> -> memref<1x16xf32, #tpu.memory_space<hbm>>
      %dma_start3A_12 = tpu.memref_squeeze %dma_start3A_11 : memref<1x16xf32, #tpu.memory_space<hbm>> -> memref<16xf32, #tpu.memory_space<hbm>>
      tpu.enqueue_dma source(%arg11 : memref<16xf32, #tpu.memory_space<vmem>>) target(%dma_start3A_12 : memref<16xf32, #tpu.memory_space<hbm>>) target_semaphore(%run_scoped3A : memref<!tpu.dma_semaphore, #tpu.memory_space<semaphore_mem>>)
      %dma_wait3A = arith.constant 0 : i32
      %dma_wait3A_13 = tpu.memref_slice %arg6[%add3A, %dma_wait3A] : memref<32x16xf32, #tpu.memory_space<hbm>> -> memref<1x16xf32, #tpu.memory_space<hbm>>
      %dma_wait3A_14 = tpu.memref_squeeze %dma_wait3A_13 : memref<1x16xf32, #tpu.memory_space<hbm>> -> memref<16xf32, #tpu.memory_space<hbm>>
      %dma_wait3A_15 = arith.constant 0 : i32
      %dma_wait3A_16 = tpu.memref_slice %arg6[%add3A, %dma_wait3A_15] : memref<32x16xf32, #tpu.memory_space<hbm>> -> memref<1x16xf32, #tpu.memory_space<hbm>>
      %dma_wait3A_17 = tpu.memref_squeeze %dma_wait3A_16 : memref<1x16xf32, #tpu.memory_space<hbm>> -> memref<16xf32, #tpu.memory_space<hbm>>
      tpu.wait_dma2 semaphore(%run_scoped3A : memref<!tpu.dma_semaphore, #tpu.memory_space<semaphore_mem>>) src(%arg11 : memref<16xf32, #tpu.memory_space<vmem>>) dst(%dma_wait3A_17 : memref<16xf32, #tpu.memory_space<hbm>>)
      tpu.yield
    }) : () -> ()
    return
  }
}

</mosaic_0001>

<sc_bundles>
// kernel: kernel.3.cloned.1.call-start
scs
__scs_entry_jumppad:
0x0: {  	(pc) =	sbr.rel $0x88, $3  }
0x1: {  	(tag) =	ssettag $0x0;
	lr =	simm.s32 $0x1  }
0x2: {  	[smem:$0x3F9D] =	sst lr;
	_ =	strace $0xD0000000  }
0x3: {  	_ = 	snop  }
0x4: {  	_ = 	snop  }
0x5: {  	_ = 	snop  }
0x6: {  	_ = 	snop  }
0x7: {  	_ = 	snop  }
__scs_overlays_trampoline_lowered:
0x8: {  	[smem:$0x3FAC] =	sst s0  }
0x9: {  	[smem:$0x3FAD] =	sst s1  }
0xa: {  	[smem:$0x3FAE] =	sst s2  }
0xb: {  	[smem:$0x3FAF] =	sst s3  }
0xc: {  	[smem:$0x3FB0] =	sst s4  }
0xd: {  	[smem:$0x3FB1] =	sst s5  }
0xe: {  	[smem:$0x3FB2] =	sst s6  }
0xf: {  	[smem:$0x3FB3] =	sst s7  }
0x10: {  	[smem:$0x3FB4] =	sst s8  }
0x11: {  	[smem:$0x3FB5] =	sst s9;
	s0 =	simm.s32 @!p0 $0x0  }
0x12: {  	s1 =	sld [smem:$0x3F9B];
	s0 =	simm.s32 @p0 $0x1  }
0x13: {  	[smem:$0x3FB6] =	sst s0;
	s0 =	simm.s32 @!p1 $0x0  }
0x14: {  	s2 =	sld [smem:$0x3F9A];
	s0 =	simm.s32 @p1 $0x1  }
0x15: {  	[smem:$0x3FB7] =	sst s0;
	s0 =	simm.s32 @!p2 $0x0  }
0x16: {  	s3 =	sld [smem:$0x3FDB];
	s0 =	simm.s32 @p2 $0x1  }
0x17: {  	s4 =	simm.s32 $0x1BF5;
	[smem:$0x3FB9] =	sst s0  }
0x18: {  	s0 =	sld [smem:$0x3F9C];
	_ =	swait.ge [sflag:s4], $0x0  }
0x19: {  	s7 =	sld [smem:$0x3F9D]  }
0x1a: {  	s8 =	sadd.s32 $0xFFFFE003, lr  }
0x1b: {  	s9 =	sadd.s32 $0xFFFFFEF7, lr;
	s5 =	simm.s32 $0xFFFFFFFF;
	p2 =	slt.u32 s8, $0xFFFFF086  }
0x1c: {  	p1 =	slt.u32 s9, $0xF7A;
	s5 =	simm.s32 @!p2 $0x0  }
0x1d: {  	s5 =	simm.s32 @p1 $0x1;
	p0 =	seq.s32 s7, s2  }
0x1e: {  	s7 =	smul.u32 @!p0 $0xF7A, s2;
	p2 =	seq.s32 @!p0 s5, $0x0  }
0x1f: {  	s9 =	smul.u32 $0xF7A, s1;
	s8 =	simm.s32 @!p0 $0x1BF5;
	p2 =	por !p2, p0  }
0x20: {  	[sflag:s8] =	ssyncset.s32 @!p0 $0xFFFFF086;
	s6 =	sadd.s32 @!p0 s3, s7;
	s7 =	simm.s32 @!p0 $0x108  }
0x21: {  	s3 =	sadd.s32 s3, s9;
	s6 =	sadd.s32 @!p0 $0x88, s6;
	s7 =	simm.s32 @p2 $0x1082  }
0x22: {  	[simem:s7], [sflag:s8] =	dma.local @!p0 [hbm:s6], $0xF7A  }
0x23: {  	s9 =	sor.u32 $0xD0000000, s2;
	s6 =	simm.s32 $0x108;
	_ =	swait.ge @!p0 [sflag:s8], $0x0  }
0x24: {  	s3 =	sadd.s32 $0x88, s3;
	s6 =	simm.s32 @!p1 $0x1082;
	[sflag:s4] =	ssyncset.s32 $0xFFFFF086  }
0x25: {  	[simem:s6], [sflag:s4] =	dma.local [hbm:s3], $0xF7A  }
0x26: {  	[smem:$0x3F9D] =	sst s1;
	(tag) =	ssettag s2;
	_ =	strace s9  }
0x27: {  	s1 =	sld [smem:$0x3FAD]  }
0x28: {  	s2 =	sld [smem:$0x3FAE]  }
0x29: {  	s4 =	sld [smem:$0x3FB0]  }
0x2a: {  	p0 =	seq.s32 s5, $0x0;
	s5 =	sld [smem:$0x3FB1]  }
0x2b: {  	s6 =	sld [smem:$0x3FB2]  }
0x2c: {  	s7 =	sld [smem:$0x3FB3]  }
0x2d: {  	s3 =	simm.s32 $0x108;
	s8 =	sld [smem:$0x3FB4]  }
0x2e: {  	s3 =	simm.s32 @!p0 $0x1082;
	s9 =	sld [smem:$0x3FB5]  }
0x2f: {  	lr =	sadd.s32 s0, s3;
	s0 =	sld [smem:$0x3FAC]  }
0x30: {  	s3 =	sld [smem:$0x3FAF]  }
0x31: {  	[smem:$0x3FB8] =	sst s10  }
0x32: {  	s10 =	sld [smem:$0x3FB6];
	_ =	sdelay $0x3  }
0x33: {  	p0 =	seq.s32 s10, $0x1;
	s10 =	sld [smem:$0x3FB8];
	_ =	sdelay $0x3  }
0x34: {  	[smem:$0x3FB8] =	sst s10  }
0x35: {  	s10 =	sld [smem:$0x3FB7];
	_ =	sdelay $0x3  }
0x36: {  	p1 =	seq.s32 s10, $0x1;
	s10 =	sld [smem:$0x3FB8];
	_ =	sdelay $0x3  }
0x37: {  	[smem:$0x3FB8] =	sst s10  }
0x38: {  	s10 =	sld [smem:$0x3FB9]  }
0x39: {  	_ = 	snop;
	(pc) =	sbr.ind lr, $3  }
0x3a: {  	_ = 	snop  }
0x3b: {  	_ = 	snop  }
0x3c: {  	p2 =	seq.s32 s10, $0x1;
	s10 =	sld [smem:$0x3FB8]  }
0x3d: {  	_ =	shalt  }
0x3e: {  	_ =	shalt  }
0x3f: {  	_ =	shalt  }
0x40: {  	_ =	shalt  }
0x41: {  	_ =	shalt  }
0x42: {  	_ =	shalt  }
0x43: {  	_ =	shalt  }
0x44: {  	_ =	shalt  }
0x45: {  	_ =	shalt  }
0x46: {  	_ =	shalt  }
0x47: {  	_ =	shalt  }
0x48: {  	_ =	shalt  }
0x49: {  	_ =	shalt  }
0x4a: {  	_ =	shalt  }
0x4b: {  	_ =	shalt  }
0x4c: {  	_ =	shalt  }
0x4d: {  	_ =	shalt  }
0x4e: {  	_ =	shalt  }
0x4f: {  	_ =	shalt  }
0x50: {  	_ =	shalt  }
0x51: {  	_ =	shalt  }
0x52: {  	_ =	shalt  }
0x53: {  	_ =	shalt  }
0x54: {  	_ =	shalt  }
0x55: {  	_ =	shalt  }
0x56: {  	_ =	shalt  }
0x57: {  	_ =	shalt  }
0x58: {  	_ =	shalt  }
0x59: {  	_ =	shalt  }
0x5a: {  	_ =	shalt  }
0x5b: {  	_ =	shalt  }
0x5c: {  	_ =	shalt  }
0x5d: {  	_ =	shalt  }
0x5e: {  	_ =	shalt  }
0x5f: {  	_ =	shalt  }
0x60: {  	_ =	shalt  }
0x61: {  	_ =	shalt  }
0x62: {  	_ =	shalt  }
0x63: {  	_ =	shalt  }
0x64: {  	_ =	shalt  }
0x65: {  	_ =	shalt  }
0x66: {  	_ =	shalt  }
0x67: {  	_ =	shalt  }
0x68: {  	_ =	shalt  }
0x69: {  	_ =	shalt  }
0x6a: {  	_ =	shalt  }
0x6b: {  	_ =	shalt  }
0x6c: {  	_ =	shalt  }
0x6d: {  	_ =	shalt  }
0x6e: {  	_ =	shalt  }
0x6f: {  	_ =	shalt  }
0x70: {  	_ =	shalt  }
0x71: {  	_ =	shalt  }
0x72: {  	_ =	shalt  }
0x73: {  	_ =	shalt  }
0x74: {  	_ =	shalt  }
0x75: {  	_ =	shalt  }
0x76: {  	_ =	shalt  }
0x77: {  	_ =	shalt  }
0x78: {  	_ =	shalt  }
0x79: {  	_ =	shalt  }
0x7a: {  	_ =	shalt  }
0x7b: {  	_ =	shalt  }
0x7c: {  	_ =	shalt  }
0x7d: {  	_ =	shalt  }
0x7e: {  	_ =	shalt  }
0x7f: {  	_ =	shalt  }
0x80: {  	_ =	shalt  }
0x81: {  	_ =	shalt  }
0x82: {  	_ =	shalt  }
0x83: {  	_ =	shalt  }
0x84: {  	_ =	shalt  }
0x85: {  	_ =	shalt  }
0x86: {  	_ =	shalt  }
0x87: {  	_ =	shalt  }
.Lfunc_end0:
.L_simem_size_0:
called_computation_lowered:
.L_overlay_start_0:
0x88: {  	s2 =	sld [smem:$0x3FD9]  }
0x89: {  	s3 =	sld [smem:$0x3FFE];
	_ =	sdelay $0x1  }
0x8a: {  	s1 =	srdreg.scid  }
0x8b: {  	s0 =	sand.u32 $0x1, s1  }
0x8c: {  	s17 =	sshll.u32 s0, $0xA;
	s2 =	sadd.s32 s3, s2  }
0x8d: {  	s2 =	sadd.s32 s2, s17  }
0x8e: {  	[smem:$0x3FC4] =	sst s2  }
0x8f: {  	_ = 	snop  }
0x90: {  	s2 =	sld [smem:$0x3FC9];
	(tm) =	ssettm $0x1  }
0x91: {  	s18 =	sld [smem:$0x3FFB];
	_ =	sdelay $0x3  }
0x92: {  	_ =	strace s18  }
0x93: {  	s3 =	sld [smem:$0x3FFC];
	_ =	sdelay $0x3  }
0x94: {  	_ =	strace s3  }
0x95: {  	s3 =	sld [smem:$0x3FFD];
	_ =	sdelay $0x3  }
0x96: {  	_ =	strace s3  }
0x97: {  	_ =	strace $0x8FFFFFFF  }
0x98: {  	s19 =	sld [smem:$0x3FDB];
	_ =	sdelay $0x1  }
0x99: {  	s4 =	simm.s32 $_scs_section_size  }
0x9a: {  	s5 =	simm.s32 $_size__tile_overlayer_lowered;
	s6 =	simm.s32 $_tile_overlayer_lowered  }
0x9b: {  	s22 =	simm.s32 $0x1BFF;
	s21 =	sshll.u32 s6, $0x1;
	s3 =	sadd.s32 s4, s19  }
0x9c: {  	s7 =	simm.s32 $0x0;
	s20 =	sshll.u32 s5, $0x1;
	s5 =	sadd.s32 s21, s3  }
0x9d: {  	[timem:s7], [sflag:s22] =	dma.local [hbm:s5], s20  }
0x9e: {  	_ =	swait.ge [sflag:s22], s20  }
0x9f: {  	s4 =	ssub.s32 $0x0, s20;
	[sflag:s22] =	ssyncset.done $0x0  }
0xa0: {  	[sflag:s22] =	ssyncadd.s32 s4;
	_ =	sdelay $0x1  }
0xa1: {  	s23 =	simm.s32 $0x1B8B  }
0xa2: {  	_ =	swait.ge [sflag:s23], $0x1  }
0xa3: {  	[sflag:s23] =	ssyncset.done $0x0  }
0xa4: {  	s25 =	simm.s32 $0x1B8E;
	s24 =	sld [smem:$0x3FFE];
	[sflag:s23] =	ssyncadd.s32 $0xFFFFFFFF  }
0xa5: {  	s26 =	simm.s32 $execute0_lowered;
	[smem:$0x3FD2] =	sst s25  }
0xa6: {  	s5 =	sshll.u32 s26, $0x1;
	_ =	strace $0x80000046;
	[dreg:$0x1] =	wrdreg $0xFFFFFFFF  }
0xa7: {  	s28 =	simm.s32 $_size_execute0_lowered;
	s3 =	sadd.s32 s3, s5;
	[dreg:$0x0] =	wrdreg $0x0  }
0xa8: {  	s5 =	sshll.u32 s28, $0x1;
	[dreg:$0x2] =	wrdreg s3  }
0xa9: {  	[dreg:$0x3] =	wrdreg s5  }
0xaa: {  	[dreg:$0x4] =	wrdreg $0xC0  }
0xab: {  	_ =	task [dreg:s7], $0x5FFFF  }
0xac: {  	[dreg:$0x1] =	wrdreg $0xFFFFFFFF  }
0xad: {  	[dreg:$0x0] =	wrdreg $0x60  }
0xae: {  	[dreg:$0x2] =	wrdreg s2  }
0xaf: {  	[dreg:$0x3] =	wrdreg s24  }
0xb0: {  	[dreg:$0x4] =	wrdreg $0x9  }
0xb1: {  	_ =	task.clear_ibuf [dreg:s7], $0x5FFFF;
	_ =	strace $0x90000046  }
0xb2: {  	s29 =	simm.s32 $0x9;
	_ =	strace $0x80000048  }
0xb3: {  	_ =	swait.ge [sflag:s29], $0x1  }
0xb4: {  	[sflag:s29] =	ssyncadd.s32 $0xFFFFFFFF  }
0xb5: {  	_ =	strace $0x90000048  }
0xb6: {  	_ =	sfence  }
0xb7: {  	s30 =	sld [smem:$0x0];
	_ =	sdelay $0x2  }
0xb8: {  	s31 =	sshll.u32 s1, $0xD;
	s1 =	sshrl.u32 s1, $0x2  }
0xb9: {  	s3 =	sand.u32 $0x4000, s31;
	s1 =	sadd.s32 s1, s30  }
0xba: {  	s0 =	sor.u32 s3, s0;
	s1 =	sshll.u32 s1, $0x11  }
0xbb: {  	s0 =	sor.u32 s1, s0  }
0xbc: {  	s0 =	sadd.s32 $0x8F2B, s0  }
0xbd: {  	[sflag:s0] =	ssyncadd.remote.s32 $0x1  }
0xbe: {  	_ =	sfence.sel $0xFFFF  }
0xbf: {  	[dreg:$0x0] =	wrdreg $0xFFFFFFFF;
	(pc) =	sbr.abs _section_cstart, $3  }
0xc0: {  	[dreg:$0x1] =	wrdreg $0xFFFFFFFF  }
0xc1: {  	_ =	task.clear_ibuf [dreg:s7], $0x2FFFF;
	_ =	strace $0x9FFFFFFF  }
0xc2: {  	(tm) =	ssettm $0x7FFFFFFF  }
0xc3: {  	_ =	shalt  }
tec
execute0_lowered:
.L_overlay_start_1:
0x0: {  	(tag) =	ssettag $0x1  }
0x1: {  	s1 =	rddreg [dreg:$0x0]  }
0x2: {  	s7 =	rddreg [dreg:$0x1];
	s3 =	simm.s32 $0x0;
	s5 =	srdreg.scid  }
0x3: {  	s0 =	stileid.u32;
	s12 =	simm.s32 $0x2A0;
	s13 =	simm.s32 $0x80  }
0x4: {  	s14 =	simm.s32 $0xAA0;
	s15 =	simm.s32 $0xA0;
	s16 =	simm.s32 $0x2AA0  }
0x5: {  	s17 =	simm.s32 $0x120;
	s18 =	simm.s32 $0x4AA0;
	s19 =	simm.s32 $0x1A0  }
0x6: {  	vm1 =	vmmov $0x1;
	vm14 =	vmmov $0x3;
	s20 =	simm.s32 $0x6AA0;
	s21 =	simm.s32 $0x220;
	s22 =	simm.s32 $0x8AA0  }
0x7: {  	vm3 =	vmmov $0x7;
	vm0 =	vmmov $0x7fff;
	s23 =	simm.s32 $0x1;
	s24 =	simm.s32 $0xAAA0;
	s25 =	simm.s32 $0x0;
	v1 =	vimm.s32 $0x0  }
0x8: {  	vm4 =	vmmov $0xf;
	vm5 =	vmmov $0x1f;
	[smem:$0x7FF] =	sst s3;
	s6 =	sand.u32 $0x1, s5;
	s8 =	sshll.u32 s0, $0x1;
	v1 =	vsel vm0, $0xFFFFFFFF, v1  }
0x9: {  	vm6 =	vmmov $0x3f;
	vm7 =	vmmov $0x7f;
	s4 =	sadd.s32 $0x200, s7;
	_ =	strace $0x80000047;
	s8 =	sor.u32 s6, s8;
	[tilespmem:$0x1FFD0] =	vst v1;
	v1 =	vimm.s32 $0x0  }
0xa: {  	vm8 =	vmmov $0xff;
	vm9 =	vmmov $0x1ff;
	s5 =	sadd.s32 $0x16E3800, s7;
	s9 =	ssub.s32 $0x2, s6;
	s10 =	sshll.u32 s8, $0x1;
	v1 =	vsel vm1, $0xFFFFFFFF, v1  }
0xb: {  	vm10 =	vmmov $0x3ff;
	vm11 =	vmmov $0x7ff;
	s6 =	sadd.s32 $0xF42600, s7;
	s11 =	sshrl.u32 s9, $0x1;
	s10 =	sadd.s32 s10, s7;
	[tilespmem:$0x1FFE0] =	vst v1;
	v1 =	vimm.s32 $0x0  }
0xc: {  	vm12 =	vmmov $0xfff;
	vm13 =	vmmov $0x1fff;
	s9 =	ssub.s32 s9, s11;
	s7 =	sshll.u32 s8, $0x9;
	s11 =	simm.s32 $0x20;
	v1 =	vsel vm14, $0xFFFFFFFF, v1  }
0xd: {  	vm2 =	vmmov $0x3fff;
	vm15 =	vcmask $0x310;
	v0 =	vimm.s32 $0x0;
	s8 =	sadd.s32 $0xA200, s10;
	s9 =	smax.u32 s9, $0x1;
	s10 =	simm.s32 $0x2;
	[tilespmem:$0x1FFF0] =	vst v1  }
.LBB2_1:
0xe: {  	v1 =	vimm.f32 $0.0e+00;
	s26 =	simm.s32 $0x0  }
.LBB2_2:
0xf: {  	s28 =	sshll.u32 s26, $0x5  }
0x10: {  	s28 =	sadd.s32 s7, s28  }
0x11: {  	s29 =	sshrl.u32 s28, $0x3  }
0x12: {  	s30 =	simm.s32 $0x0;
	s28 =	smul.u32 $0x14, s28;
	s29 =	sadd.s32 s1, s29  }
0x13: {  	[tilespmem:s30], [sflag:$0x2] =	stream.linear.gather [hbm4b:s29+s30], $0x20, $0x38;
	[tilespmem:$0xAAB0] =	vst v63  }
0x14: {  	_ =	swait.ge [sflag:s10], $0x20  }
0x15: {  	s28 =	sshrl.u32 s28, $0x3;
	[sflag:s10] =	ssyncset.done $0x0  }
0x16: {  	s28 =	sadd.s32 s4, s28;
	[sflag:s10] =	ssyncadd.s32 $0xFFFFFFE0  }
0x17: {  	[tilespmem:s11], [sflag:$0x2] =	stream.linear.gather [hbm4b:s28+s30], $0x280, $0x38;
	[tilespmem:$0xAAB0] =	vst v63  }
0x18: {  	_ =	swait.ge [sflag:s10], $0x280  }
0x19: {  	[sflag:s10] =	ssyncset.done $0x0  }
0x1a: {  	[sflag:s10] =	ssyncadd.s32 $0xFFFFFD80  }
0x1b: {  	[tilespmem:s12], [sflag:$0x1] =	stream.indirect.gather [hbm4b:s5+s11], $0x40, s30, s11, $0xb8;
	[tilespmem:$0xAAB0] =	vst v63  }
0x1c: {  	_ = 	snop  }
0x1d: {  	[tilespmem:s14], [sflag:$0x1] =	stream.indirect.gather [hbm4b:s6+s13], $0x40, s11, s13, $0xb8;
	[tilespmem:$0xAAB0] =	vst v63  }
0x1e: {  	_ = 	snop  }
0x1f: {  	[tilespmem:s16], [sflag:$0x1] =	stream.indirect.gather [hbm4b:s6+s13], $0x40, s15, s13, $0xb8;
	[tilespmem:$0xAAB0] =	vst v63  }
0x20: {  	_ = 	snop  }
0x21: {  	[tilespmem:s18], [sflag:$0x1] =	stream.indirect.gather [hbm4b:s6+s13], $0x40, s17, s13, $0xb8;
	[tilespmem:$0xAAB0] =	vst v63  }
0x22: {  	_ = 	snop  }
0x23: {  	[tilespmem:s20], [sflag:$0x1] =	stream.indirect.gather [hbm4b:s6+s13], $0x40, s19, s13, $0xb8;
	[tilespmem:$0xAAB0] =	vst v63  }
0x24: {  	_ = 	snop  }
0x25: {  	[tilespmem:s22], [sflag:$0x1] =	stream.indirect.gather [hbm4b:s6+s13], $0x40, s21, s13, $0xb8;
	[tilespmem:$0xAAB0] =	vst v63  }
0x26: {  	_ =	swait.ge [sflag:s23], $0x800  }
0x27: {  	[sflag:s23] =	ssyncset.done $0x0  }
0x28: {  	[sflag:s23] =	ssyncadd.s32 $0xFFFFF800  }
0x29: {  	_ =	swait.ge [sflag:s23], $0x2000  }
0x2a: {  	[sflag:s23] =	ssyncset.done $0x0  }
0x2b: {  	[sflag:s23] =	ssyncadd.s32 $0xFFFFE000  }
0x2c: {  	_ =	swait.ge [sflag:s23], $0x2000  }
0x2d: {  	[sflag:s23] =	ssyncset.done $0x0  }
0x2e: {  	[sflag:s23] =	ssyncadd.s32 $0xFFFFE000  }
0x2f: {  	_ =	swait.ge [sflag:s23], $0x2000  }
0x30: {  	[sflag:s23] =	ssyncset.done $0x0  }
0x31: {  	[sflag:s23] =	ssyncadd.s32 $0xFFFFE000  }
0x32: {  	_ =	swait.ge [sflag:s23], $0x2000  }
0x33: {  	[sflag:s23] =	ssyncset.done $0x0  }
0x34: {  	[sflag:s23] =	ssyncadd.s32 $0xFFFFE000  }
0x35: {  	_ =	swait.ge [sflag:s23], $0x2000  }
0x36: {  	[sflag:s23] =	ssyncset.done $0x0  }
0x37: {  	s29 =	simm.s32 $0xD20;
	[sflag:s23] =	ssyncadd.s32 $0xFFFFE000  }
0x38: {  	v2 =	vld [tilespmem:s29+$0x140]  }
0x39: {  	v7 =	vld [tilespmem:s29+$0x150]  }
0x3a: {  	v5 =	vld [tilespmem:s29+$0x160]  }
0x3b: {  	v4 =	vld [tilespmem:s29+$0x240]  }
0x3c: {  	v13 =	vld [tilespmem:s29+$0x250]  }
0x3d: {  	v14 =	vld [tilespmem:s29+$0x260]  }
0x3e: {  	v15 =	vld [tilespmem:s29+$0x270]  }
0x3f: {  	v16 =	vld [tilespmem:s29+$0x100]  }
0x40: {  	v17 =	vld [tilespmem:s29+$0x110]  }
0x41: {  	v18 =	vld [tilespmem:s29+$0x120]  }
0x42: {  	v19 =	vld [tilespmem:s29+$0x130]  }
0x43: {  	v20 =	vld [tilespmem:s29+$0x200]  }
0x44: {  	v21 =	vld [tilespmem:s29+$0x210]  }
0x45: {  	v22 =	vld [tilespmem:s29+$0x220]  }
0x46: {  	v23 =	vld [tilespmem:s29+$0x230]  }
0x47: {  	v24 =	vld [tilespmem:s29+$0xC0]  }
0x48: {  	v25 =	vld [tilespmem:s29+$0xD0]  }
0x49: {  	v26 =	vld [tilespmem:s29+$0xE0]  }
0x4a: {  	v27 =	vld [tilespmem:s29+$0xF0]  }
0x4b: {  	s28 =	simm.s32 $0x0;
	v3 =	vld [tilespmem:s29+$0x1C0]  }
0x4c: {  	v10 =	vld [tilespmem:s28+$0x2A0]  }
0x4d: {  	v11 =	vld [tilespmem:s28+$0x2B0]  }
0x4e: {  	v8 =	vld [tilespmem:s28+$0x2C0]  }
0x4f: {  	v9 =	vld [tilespmem:s28+$0x2D0]  }
0x50: {  	v28 =	vld [tilespmem:s29+$0x80]  }
0x51: {  	v29 =	vld [tilespmem:s29+$0x90]  }
0x52: {  	v30 =	vld [tilespmem:s29+$0xA0]  }
0x53: {  	v31 =	vld [tilespmem:s29+$0xB0]  }
0x54: {  	v32 =	vld [tilespmem:s29+$0x180]  }
0x55: {  	v33 =	vld [tilespmem:s29+$0x190]  }
0x56: {  	v34 =	vld [tilespmem:s29+$0x1A0]  }
0x57: {  	v35 =	vld [tilespmem:s29+$0x1B0]  }
0x58: {  	v36 =	vld [tilespmem:s29+$0x40]  }
0x59: {  	v37 =	vld [tilespmem:s29+$0x50]  }
0x5a: {  	v38 =	vld [tilespmem:s29+$0x60]  }
0x5b: {  	v39 =	vld [tilespmem:s29+$0x70]  }
0x5c: {  	v40 =	vld [tilespmem:s29+$0xFFFFFFC0]  }
0x5d: {  	v41 =	vld [tilespmem:s29+$0xFFFFFFD0]  }
0x5e: {  	v42 =	vld [tilespmem:s29+$0xFFFFFFE0]  }
0x5f: {  	v43 =	vld [tilespmem:s29+$0xFFFFFFF0];
	v44 =	vmul.f32 v4, v10  }
0x60: {  	v46 =	vld [tilespmem:s29+$0xFFFFFF40];
	v45 =	vmul.f32 v13, v11;
	v14 =	vmul.f32 v14, v8  }
0x61: {  	v61 =	vld [tilespmem:s29+$0xFFFFFF60];
	v15 =	vmul.f32 v15, v9;
	v16 =	vmul.f32 v16, v10  }
0x62: {  	v62 =	vld [tilespmem:s29+$0xFFFFFF70];
	v17 =	vmul.f32 v17, v11;
	v18 =	vmul.f32 v18, v8  }
0x63: {  	v48 =	vld [tilespmem:s29+$0xFFFFFE50];
	v19 =	vmul.f32 v19, v9;
	v20 =	vmul.f32 v20, v10  }
0x64: {  	v50 =	vld [tilespmem:s29+$0xFFFFFE60];
	v21 =	vmul.f32 v21, v11;
	v22 =	vmul.f32 v22, v8  }
0x65: {  	v51 =	vld [tilespmem:s29+$0xFFFFFE70];
	v23 =	vmul.f32 v23, v9;
	v63 =	vmul.f32 v35, v9  }
0x66: {  	v54 =	vld [tilespmem:s29+$0xFFFFFE00];
	v47 =	vmul.f32 v37, v11;
	v49 =	vmul.f32 v39, v9  }
0x67: {  	v56 =	vld [tilespmem:s29+$0xFFFFFE10];
	v52 =	vmul.f32 v40, v10;
	v53 =	vmul.f32 v41, v11  }
0x68: {  	v60 =	vld [tilespmem:s29+$0xFFFFFE30];
	v55 =	vmul.f32 v43, v9;
	v57 =	vmul.f32 v46, v10;
	v44 =	vadd.f32 v45, v44  }
0x69: {  	v13 =	vld [tilespmem:s29+$0xFFFFFF80];
	v58 =	vmul.f32 v61, v8;
	v14 =	vadd.f32 v15, v14;
	v18 =	vadd.f32 v19, v18  }
0x6a: {  	v15 =	vld [tilespmem:s29+$0xFFFFFF50];
	v19 =	vadd.f32 v21, v20;
	v21 =	vmul.f32 v24, v10;
	v24 =	vmul.f32 v25, v11  }
0x6b: {  	v16 =	vadd.f32 v17, v16;
	v17 =	vld [tilespmem:s29+$0xFFFFFEC0];
	v25 =	vmul.f32 v26, v8;
	v26 =	vmul.f32 v27, v9  }
0x6c: {  	v20 =	vld [tilespmem:s29+$0xFFFFFED0];
	v22 =	vadd.f32 v23, v22;
	v27 =	vmul.f32 v28, v10;
	v28 =	vmul.f32 v29, v11  }
0x6d: {  	v23 =	vld [tilespmem:s29+$0xFFFFFEE0];
	v29 =	vmul.f32 v30, v8;
	v14 =	vadd.f32 v14, v44;
	v16 =	vadd.f32 v18, v16  }
0x6e: {  	v30 =	vld [tilespmem:s29+$0xFFFFFE90];
	v19 =	vadd.f32 v22, v19;
	v21 =	vadd.f32 v24, v21;
	v24 =	vmul.f32 v31, v9  }
0x6f: {  	v4 =	vld [tilespmem:s29+$0xFFFFFF90];
	v59 =	vmul.f32 v62, v9;
	v25 =	vadd.f32 v26, v25;
	v26 =	vadd.f32 v28, v27  }
0x70: {  	v18 =	vld [tilespmem:s29+$0xFFFFFEF0];
	v28 =	vmul.f32 v32, v10;
	v24 =	vadd.f32 v24, v29;
	v29 =	vmul.f32 v33, v11  }
0x71: {  	v22 =	vld [tilespmem:s29+$0xFFFFFE80];
	v21 =	vadd.f32 v25, v21;
	v25 =	vmul.f32 v34, v8;
	v15 =	vmul.f32 v15, v11  }
0x72: {  	v27 =	vld [tilespmem:s29+$0xFFFFFEA0];
	v17 =	vmul.f32 v17, v10;
	v20 =	vmul.f32 v20, v11  }
0x73: {  	v31 =	vld [tilespmem:s29+$0xFFFFFEB0];
	v34 =	vadd.f32 v53, v52;
	(xrf2) =	vadd.scan.msk.f32 $0xffff, v14;
	v23 =	vmul.f32 v23, v8;
	v30 =	vmul.f32 v30, v11  }
0x74: {  	v61 =	vld [tilespmem:s29+$0xFFFFFD80];
	(xrf2) =	vadd.scan.msk.f32 $0xffff, v16;
	v16 =	vmul.f32 v50, v8;
	v24 =	vadd.f32 v24, v26;
	v26 =	vmul.f32 v36, v10  }
0x75: {  	v62 =	vld [tilespmem:s29+$0xFFFFFD90];
	v28 =	vadd.f32 v29, v28;
	v29 =	vmul.f32 v38, v8;
	v25 =	vadd.f32 v63, v25  }
0x76: {  	v45 =	vld [tilespmem:s29+$0xFFFFFF10];
	v38 =	vadd.f32 v59, v58;
	(xrf2) =	vadd.scan.msk.f32 $0xffff, v19;
	v19 =	vmul.f32 v51, v9;
	v18 =	vmul.f32 v18, v9  }
0x77: {  	v33 =	vld [tilespmem:s29+$0xFFFFFE40];
	v22 =	vmul.f32 v22, v10;
	v26 =	vadd.f32 v47, v26;
	v29 =	vadd.f32 v49, v29  }
0x78: {  	v44 =	vld [tilespmem:s29+$0xFFFFFDD0];
	v15 =	vadd.f32 v15, v57;
	v27 =	vmul.f32 v27, v8;
	v31 =	vmul.f32 v31, v9  }
0x79: {  	v17 =	vadd.f32 v20, v17;
	(xrf2) =	vadd.scan.msk.f32 $0xffff, v21;
	v21 =	vmul.f32 v56, v11;
	v26 =	vadd.f32 v29, v26;
	v29 =	vld [tilespmem:s29+$0xFFFFFE20]  }
0x7a: {  	v63 =	vld [tilespmem:s29+$0xFFFFFDA0];
	v25 =	vadd.f32 v25, v28;
	v28 =	vmul.f32 v42, v8;
	v16 =	vadd.f32 v19, v16  }
0x7b: {  	v20 =	vld [tilespmem:s29+$0xFFFFFDC0];
	(xrf2) =	vadd.scan.msk.f32 $0xffff, v24;
	v24 =	vmul.f32 v60, v9;
	v15 =	vadd.f32 v38, v15;
	v18 =	vadd.f32 v18, v23  }
0x7c: {  	v42 =	vld [tilespmem:s29+$0xFFFFFDB0];
	v14 =	vmul.f32 v33, v10;
	v22 =	vadd.f32 v30, v22;
	v27 =	vadd.f32 v31, v27  }
0x7d: {  	v23 =	vmul.f32 v48, v11;
	v30 =	vld [tilespmem:s29+$0xFFFFFDE0];
	v28 =	vadd.f32 v55, v28;
	v17 =	vadd.f32 v18, v17  }
0x7e: {  	v31 =	vld [tilespmem:s29+$0xFFFFFDF0];
	v18 =	vmul.f32 v54, v10;
	v22 =	vadd.f32 v27, v22;
	v29 =	vmul.f32 v29, v8  }
0x7f: {  	v19 =	vld [tilespmem:s29+$0xFFFFFFB0];
	(xrf2) =	vadd.scan.msk.f32 $0xffff, v25;
	v25 =	vmul.f32 v62, v11;
	v14 =	vadd.f32 v23, v14;
	v28 =	vadd.f32 v28, v34  }
0x80: {  	v27 =	vld [tilespmem:s29+$0xFFFFFFA0];
	v23 =	vmul.f32 v61, v10;
	(xrf2) =	vadd.scan.msk.f32 $0xffff, v26;
	v18 =	vadd.f32 v21, v18;
	v24 =	vadd.f32 v24, v29  }
0x81: {  	v26 =	vmul.f32 v63, v8;
	v14 =	vadd.f32 v16, v14;
	v16 =	vmul.f32 v20, v10;
	(xrf2) =	vadd.scan.msk.f32 $0xffff, v28;
	v28 =	vld [tilespmem:s29+$0xFFFFFF20]  }
0x82: {  	v21 =	vld [tilespmem:s29+$0xFFFFFF00];
	v29 =	vmul.f32 v42, v9;
	v18 =	vadd.f32 v24, v18;
	v24 =	vmul.f32 v30, v8  }
0x83: {  	v20 =	vmul.f32 v44, v11;
	(xrf2) =	vadd.scan.msk.f32 $0xffff, v15;
	v30 =	vmul.f32 v31, v9;
	v31 =	vld [tilespmem:s29+$0xFFFFFF30]  }
0x84: {  	v12 =	vld [tilespmem:s29+$0x1D0];
	v13 =	vmul.f32 v13, v10;
	(xrf2) =	vadd.scan.msk.f32 $0xffff, v17;
	v17 =	vadd.f32 v25, v23;
	v23 =	vadd.f32 v29, v26  }
0x85: {  	v4 =	vmul.f32 v4, v11;
	v15, _, _ =	vpop (xrf2);
	v16 =	vadd.f32 v20, v16;
	v25 =	vld [tilespmem:s29+$0x0];
	(xrf2) =	vadd.scan.msk.f32 $0xffff, v22;
	v20 =	vadd.f32 v30, v24  }
0x86: {  	v19 =	vmul.f32 v19, v9;
	v22 =	vld [tilespmem:s29+$0x10];
	v28 =	vmul.f32 v28, v8;
	v24, _, _ =	vpop (xrf2);
	(xrf2) =	vadd.scan.msk.f32 $0xffff, v14;
	v14 =	vadd.f32 v23, v17  }
0x87: {  	v17 =	vmul.f32 v27, v8;
	v23 =	vld [tilespmem:s29+$0x20];
	v16 =	vadd.f32 v20, v16;
	v20 =	vmul.f32 v45, v11  }
0x88: {  	v26, _, _ =	vpop (xrf2);
	(xrf2) =	vadd.scan.msk.f32 $0xffff, v18;
	v18 =	vmul.f32 v21, v10;
	v21 =	vld [tilespmem:s29+$0x30];
	v29 =	vmul.f32 v31, v9  }
0x89: {  	v4 =	vadd.f32 v4, v13;
	v30 =	vld [tilespmem:s29+$0x1E0];
	v27, _, _ =	vpop (xrf2);
	(xrf2) =	vadd.scan.msk.f32 $0xffff, v14;
	v13 =	vadd.f32 v19, v17  }
0x8a: {  	v19 =	vld [tilespmem:s29+$0x1F0];
	v31, _, _ =	vpop (xrf2);
	(xrf2) =	vadd.scan.msk.f32 $0xffff, v16;
	v17 =	vadd.f32 v20, v18;
	v18 =	vadd.f32 v29, v28  }
0x8b: {  	v6 =	vld [tilespmem:s29+$0x170];
	s28 =	simm.s32 $0x1220;
	v46 =	vmul.f32 v3, v10;
	v12 =	vmul.f32 v12, v11;
	v16, _, _ =	vpop (xrf2);
	v28 =	vadd.f32 v13, v4  }
0x8c: {  	v3 =	vld [tilespmem:s28+$0x170];
	v25 =	vmul.f32 v25, v10;
	v22 =	vmul.f32 v22, v11;
	v20, _, _ =	vpop (xrf2);
	v17 =	vadd.f32 v18, v17  }
0x8d: {  	v43 =	vld [tilespmem:s28+$0xFFFFFF70];
	v23 =	vmul.f32 v23, v8;
	v29, _, _ =	vpop (xrf2);
	v18 =	vmul.f32 v21, v9  }
0x8e: {  	v12 =	vadd.f32 v12, v46;
	v46 =	vld [tilespmem:s28+$0xFFFFFE40];
	v22 =	vadd.f32 v22, v25;
	(xrf2) =	vadd.scan.msk.f32 $0xffff, v28;
	v21, _, _ =	vpop (xrf2)  }
0x8f: {  	v52 =	vld [tilespmem:s28+$0xF0];
	(xrf2) =	vadd.scan.msk.f32 $0xffff, v17;
	v19 =	vmul.f32 v19, v9;
	v28, _, _ =	vpop (xrf2);
	v18 =	vadd.f32 v18, v23;
	v23 =	vmul.f32 v30, v8  }
0x90: {  	v53 =	vld [tilespmem:s28+$0x190];
	v17, _, _ =	vpop (xrf2)  }
0x91: {  	v50 =	vld [tilespmem:s28+$0x230];
	v47, _, _ =	vpop (xrf2);
	v19 =	vadd.f32 v19, v23  }
0x92: {  	v7 =	vmul.f32 v7, v11;
	v51 =	vld [tilespmem:s28+$0xD0];
	v18 =	vadd.f32 v18, v22;
	v22, _, _ =	vpop (xrf2)  }
0x93: {  	v6 =	vmul.f32 v6, v9;
	v59 =	vld [tilespmem:s28+$0x60];
	v10 =	vmul.f32 v2, v10;
	v2, _, _ =	vpop (xrf2);
	v9 =	vadd.f32 v19, v12  }
0x94: {  	v5 =	vmul.f32 v5, v8;
	v56 =	vld [tilespmem:s28+$0x40];
	(xrf2) =	vadd.scan.msk.f32 $0xffff, v18;
	v8, _, _ =	vpop (xrf2);
	v11 =	vbroadcast v2, $0xF  }
0x95: {  	v57 =	vld [tilespmem:s28+$0x50];
	v8 =	vbroadcast v8, $0xF;
	(xrf2) =	vadd.scan.msk.f32 $0xffff, v9;
	v9 =	vbroadcast v47, $0xF  }
0x96: {  	v5 =	vadd.f32 v6, v5;
	v49 =	vld [tilespmem:s28+$0x270];
	v7 =	vadd.f32 v7, v10;
	v6 =	vbroadcast v22, $0xF  }
0x97: {  	v60 =	vld [tilespmem:s28+$0xFFFFFFC0];
	v8 =	vsel vm1, v11, v8  }
0x98: {  	v48 =	vld [tilespmem:s28+$0x260];
	v5 =	vadd.f32 v5, v7;
	v7 =	vbroadcast v17, $0xF;
	v10, _, _ =	vpop (xrf2);
	v6 =	vsel vm14, v8, v6  }
0x99: {  	v55 =	vld [tilespmem:s28+$0x1B0];
	v8 =	vbroadcast v28, $0xF;
	v6 =	vsel vm3, v6, v9;
	v9, _, _ =	vpop (xrf2)  }
0x9a: {  	v62 =	vld [tilespmem:s28+$0xFFFFFFF0];
	v6 =	vsel vm4, v6, v7;
	v7 =	vbroadcast v9, $0xF  }
0x9b: {  	v54 =	vld [tilespmem:s28+$0x1A0];
	v6 =	vsel vm5, v6, v8  }
0x9c: {  	v63 =	vld [tilespmem:s28+$0xFFFFFF60];
	(xrf2) =	vadd.scan.msk.f32 $0xffff, v5;
	v6 =	vsel vm6, v6, v7  }
0x9d: {  	v45 =	vld [tilespmem:s28+$0xFFFFFEA0];
	v5 =	vbroadcast v21, $0xF  }
0x9e: {  	v15 =	vbroadcast v15, $0xF;
	v25 =	vld [tilespmem:s28+$0x240];
	v7 =	vbroadcast v10, $0xF  }
0x9f: {  	v24 =	vbroadcast v24, $0xF;
	v14 =	vld [tilespmem:s28+$0x140];
	v9 =	vbroadcast v29, $0xF;
	v5 =	vsel vm7, v6, v5;
	v6, _, _ =	vpop (xrf2)  }
0xa0: {  	v26 =	vbroadcast v26, $0xF;
	v13 =	vld [tilespmem:s28+$0x150];
	v5 =	vsel vm8, v5, v7;
	v6 =	vbroadcast v6, $0xF  }
0xa1: {  	v4 =	vld [tilespmem:s28+$0x160];
	v11 =	vbroadcast v16, $0xF;
	v7 =	vbroadcast v20, $0xF;
	v5 =	vsel vm9, v5, v9  }
0xa2: {  	v30 =	vld [tilespmem:s28+$0x250];
	v20 =	vbroadcast v27, $0xF;
	v16, _, _ =	vpop (xrf2);
	v5 =	vsel vm10, v5, v6;
	v6 =	vbroadcast v31, $0xF  }
0xa3: {  	v23 =	vld [tilespmem:s28+$0x100];
	v11 =	vnsel vm1, $0xF149F2CA, v11;
	v16 =	vbroadcast v16, $0xF;
	v5 =	vsel vm11, v5, v7  }
0xa4: {  	v17 =	vld [tilespmem:s28+$0x210];
	vm1 =	vmmov vm14;
	vm14 =	vmmov vm15;
	v5 =	vsel vm12, v5, v6  }
0xa5: {  	v18 =	vld [tilespmem:s28+$0x110];
	v16 =	vsel vm15, v11, v16;
	vm15 =	vcmask $0x710;
	v5 =	vsel vm13, v5, v20  }
0xa6: {  	v12 =	vld [tilespmem:s28+$0x120];
	v16 =	vsel vm15, v16, v26;
	vm15 =	vcmask $0xB10;
	v20, _, _ =	vpop (xrf2);
	v5 =	vsel vm2, v5, v24  }
0xa7: {  	s29 =	simm.s32 $0x40;
	v19 =	vld [tilespmem:s28+$0x130];
	v15 =	vsel vm15, v16, v15;
	v20 =	vsel vm0, v5, v20  }
0xa8: {  	v10 =	vld [tilespmem:s29+$0x2B0];
	v5 =	vmax.f32 v20, v15  }
0xa9: {  	v9 =	vld [tilespmem:s29+$0x2A0];
	(xrf0) =	vmax.scan.msk.f32 $0xffff, v5  }
0xaa: {  	v22 =	vld [tilespmem:s28+$0x200]  }
0xab: {  	v21 =	vld [tilespmem:s28+$0xC0]  }
0xac: {  	v7 =	vld [tilespmem:s29+$0x2C0]  }
0xad: {  	v28 =	vld [tilespmem:s28+$0x220];
	v30 =	vmul.f32 v30, v10;
	v18 =	vmul.f32 v18, v10  }
0xae: {  	v17 =	vmul.f32 v17, v10;
	v6 =	vld [tilespmem:s29+$0x2D0];
	v25 =	vmul.f32 v25, v9  }
0xaf: {  	v47 =	vld [tilespmem:s28+$0xFFFFFE50];
	v23 =	vmul.f32 v23, v9;
	v22 =	vmul.f32 v22, v9;
	v5, _, _ =	vpop (xrf0)  }
0xb0: {  	v26 =	vld [tilespmem:s28+$0xA0];
	v61 =	vmul.f32 v21, v9;
	v58 =	vbroadcast v5, $0xF  }
0xb1: {  	v29 =	vld [tilespmem:s28+$0xE0];
	v25 =	vadd.f32 v30, v25;
	v18 =	vadd.f32 v18, v23;
	v34 =	vmul.f32 v48, v7  }
0xb2: {  	v8 =	vld [tilespmem:s28+$0x1C0];
	v12 =	vmul.f32 v12, v7;
	v28 =	vmul.f32 v28, v7;
	v20 =	vsub.f32 v20, v58  }
0xb3: {  	v27 =	vld [tilespmem:s28+$0xB0];
	v32 =	vmul.f32 v49, v6;
	v19 =	vmul.f32 v19, v6;
	v15 =	vsub.f32 v15, v58  }
0xb4: {  	v16 =	vld [tilespmem:s28+$0x90];
	v17 =	vadd.f32 v17, v22;
	v22 =	vmul.f32 v50, v6;
	v20 =	vmul.f32 $1.442695020e+00, v20  }
0xb5: {  	v24 =	vld [tilespmem:s28+$0x80];
	v26 =	vmul.f32 v26, v7;
	v12 =	vadd.f32 v19, v12;
	v15 =	vmul.f32 $1.442695020e+00, v15  }
0xb6: {  	v31 =	vld [tilespmem:s28+$0x180];
	v42 =	vmul.f32 v55, v6;
	v30 =	vadd.f32 v32, v34;
	(erf) = vpow2.f32 v20  }
0xb7: {  	v11 =	vld [tilespmem:s28+$0x1D0];
	v12 =	vadd.f32 v12, v18;
	v18 =	vmul.f32 v51, v10;
	(erf) = vpow2.f32 v15  }
0xb8: {  	v21 =	vld [tilespmem:s28+$0xFFFFFF80];
	v20 =	vmul.f32 v52, v6;
	v15 =	vmul.f32 v29, v7  }
0xb9: {  	v23 =	vld [tilespmem:s28+$0xFFFFFFD0];
	v16 =	vmul.f32 v16, v10;
	v28 =	vadd.f32 v22, v28;
	v25 =	vadd.f32 v30, v25  }
0xba: {  	v49 =	vld [tilespmem:s28+$0xFFFFFE70];
	v24 =	vmul.f32 v24, v9;
	v18 =	vadd.f32 v18, v61;
	v15 =	vadd.f32 v20, v15  }
0xbb: {  	v50 =	vld [tilespmem:s28+$0xFFFFFE00];
	v17 =	vadd.f32 v28, v17;
	v28 =	vmul.f32 v31, v9;
	v20 =	vmul.f32 v27, v6  }
0xbc: {  	v19 =	vld [tilespmem:s28+$0xFFFFFFE0];
	v31 =	vmul.f32 v53, v10;
	v15 =	vadd.f32 v15, v18;
	v18 =	vmul.f32 v54, v7  }
0xbd: {  	v30 =	vld [tilespmem:s28+$0x70];
	v16 =	vadd.f32 v16, v24;
	(xrf2) =	vadd.scan.msk.f32 $0xffff, v25;
	v20 =	vadd.f32 v20, v26  }
0xbe: {  	v24 =	vld [tilespmem:s28+$0xFFFFFEC0];
	(xrf2) =	vadd.scan.msk.f32 $0xffff, v12;
	v12 =	vadd.f32 v31, v28;
	v18 =	vadd.f32 v42, v18  }
0xbf: {  	v44 =	vmul.f32 v60, v9;
	v25 =	vld [tilespmem:s28+$0xFFFFFED0];
	(xrf2) =	vadd.scan.msk.f32 $0xffff, v17;
	v16 =	vadd.f32 v20, v16;
	v17 =	vpop (erf)  }
0xc0: {  	v33 =	vmul.f32 v46, v9;
	v31 =	vld [tilespmem:s28+$0xFFFFFE80];
	(xrf2) =	vadd.scan.msk.f32 $0xffff, v15;
	v12 =	vadd.f32 v18, v12;
	v18 =	vmul.f32 v14, v9;
	v14 =	vpop (erf)  }
0xc1: {  	v35 =	vmul.f32 v63, v7;
	v28 =	vmul.f32 v57, v10;
	v29 =	vld [tilespmem:s28+$0xFFFFFF40];
	(xrf2) =	vadd.scan.msk.f32 $0xffff, v16;
	v14 =	vadd.f32 v14, v17  }
0xc2: {  	v19 =	vmul.f32 v19, v7;
	v27 =	vld [tilespmem:s28+$0xFFFFFF50];
	v16 =	vmul.f32 v56, v9;
	(xrf2) =	vadd.scan.msk.f32 $0xffff, v12  }
0xc3: {  	vm0 =	vmmov vm14;
	v26 =	vld [tilespmem:s28+$0xFFFFFEE0];
	v12 =	vmul.f32 v59, v7;
	v17 =	vmul.f32 v30, v6;
	(xrf2) =	vadd.scan.msk.f32 $0xffff, v14  }
0xc4: {  	vm14 =	vmmov vm2;
	v15 =	vld [tilespmem:s28+$0xFFFFFEF0];
	v20 =	vmul.f32 v13, v10;
	v13 =	vmul.f32 v23, v10  }
0xc5: {  	v23 =	vld [tilespmem:s28+$0xFFFFFEB0];
	v16 =	vadd.f32 v28, v16;
	v28 =	vmul.f32 v62, v6;
	v12 =	vadd.f32 v17, v12  }
0xc6: {  	v48 =	vmul.f32 v43, v6;
	v34 =	vmul.f32 v45, v7;
	v13 =	vadd.f32 v13, v44;
	v30 =	vld [tilespmem:s28+$0xFFFFFE90]  }
0xc7: {  	v22 =	vld [tilespmem:s28+$0xFFFFFF90];
	v37 =	vmul.f32 v49, v6;
	v24 =	vmul.f32 v24, v9;
	v19 =	vadd.f32 v28, v19;
	v14, _, _ =	vpop (xrf2)  }
0xc8: {  	v25 =	vmul.f32 v25, v10;
	v31 =	vmul.f32 v31, v9;
	v28 =	vld [tilespmem:s28+$0xFFFFFE60];
	v16 =	vadd.f32 v12, v16;
	v17, _, _ =	vpop (xrf2)  }
0xc9: {  	v53 =	vld [tilespmem:s28+$0xFFFFFE30];
	v29 =	vmul.f32 v29, v9;
	v27 =	vmul.f32 v27, v10;
	v19 =	vadd.f32 v19, v13;
	v12, _, _ =	vpop (xrf2)  }
0xca: {  	v32 =	vadd.f32 v48, v35;
	v57 =	vld [tilespmem:s28+$0xFFFFFDA0];
	v26 =	vmul.f32 v26, v7;
	v51 =	vmul.f32 v15, v6;
	(xrf2) =	vadd.scan.msk.f32 $0xffff, v16;
	v13, _, _ =	vpop (xrf2)  }
0xcb: {  	v27 =	vadd.f32 v27, v29;
	v29 =	vld [tilespmem:s28+$0xFFFFFE10];
	v23 =	vmul.f32 v23, v6;
	v30 =	vmul.f32 v30, v10;
	(xrf2) =	vadd.scan.msk.f32 $0xffff, v19;
	v15, _, _ =	vpop (xrf2)  }
0xcc: {  	v52 =	vld [tilespmem:s28+$0xFFFFFE20];
	v54 =	vmul.f32 v47, v10;
	v19 =	vadd.f32 v25, v24;
	v24 =	vadd.f32 v51, v26;
	v16, _, _ =	vpop (xrf2)  }
0xcd: {  	v56 =	vld [tilespmem:s28+$0xFFFFFD90];
	v23 =	vadd.f32 v23, v34;
	v55 =	vmul.f32 v28, v7;
	v28 =	vadd.f32 v30, v31;
	v25, _, _ =	vpop (xrf2)  }
0xce: {  	v26 =	vadd.f32 v32, v27;
	v27 =	vld [tilespmem:s28+$0xFFFFFD80];
	v24 =	vadd.f32 v24, v19;
	v19 =	vbroadcast v25, $0xF  }
0xcf: {  	v38 =	vmul.f32 v50, v9;
	v40 =	vmul.f32 v53, v6;
	v60 =	vadd.f32 v23, v28;
	v23 =	vld [tilespmem:$0x1FFE0]  }
0xd0: {  	v62 =	vadd.f32 v54, v33;
	v33 =	vld [tilespmem:s28+$0xFFFFFDF0];
	v58 =	vmul.f32 v29, v10;
	v29 =	vand.u32 $0x7FFFFF, v19  }
0xd1: {  	v35 =	vmul.f32 v57, v7;
	v31 =	vld [tilespmem:s28+$0xFFFFFDE0];
	v37 =	vadd.f32 v37, v55;
	v61 =	vor.u32 $0x3F800000, v29  }
0xd2: {  	vm2 =	vmmov vm1;
	v59 =	vmul.f32 v52, v7;
	v28 =	vld [tilespmem:s28+$0xFFFFFDC0];
	v63 =	vmul.f32 $5.000000000e-01, v61  }
0xd3: {  	v36 =	vadd.f32 v58, v38;
	(xrf2) =	vadd.scan.msk.f32 $0xffff, v26;
	v34 =	vadd.f32 v37, v62;
	v25 =	vld [tilespmem:s28+$0xFFFFFDB0];
	vm15 =	vgt.f32 v61, $1.414213540e+00  }
0xd4: {  	v26 =	vld [tilespmem:s28+$0xFFFFFFA0];
	(xrf2) =	vadd.scan.msk.f32 $0xffff, v24;
	v30 =	vmul.f32 v27, v9;
	vm1 =	vnez.u8 v23;
	v23, _, _ =	vpop (xrf2);
	v27 =	vsel vm15, v63, v61  }
0xd5: {  	s30 =	simm.s32 $0x200;
	s29 =	simm.s32 $0x1220;
	v32 =	vmul.f32 v56, v10;
	v37 =	vadd.f32 v40, v59;
	v29 =	vld [tilespmem:s28+$0xFFFFFDD0];
	(xrf2) =	vadd.scan.msk.f32 $0xffff, v60;
	v24, _, _ =	vpop (xrf2);
	v27 =	vadd.f32 $-1.000000000e+00, v27  }
.LBB2_3:
0xd6: {  	_ = 	snop  }
0xd7: {  	v40 =	vadd.f32 $2.000000000e+00, v27  }
0xd8: {  	v38 =	vld [tilespmem:s28+$0xFFFFFFB0];
	v25 =	vmul.f32 v25, v6  }
0xd9: {  	v56 =	vld [tilespmem:s28+$0xFFFFFF00];
	v30 =	vadd.f32 v32, v30;
	(erf) = vrcp.f32 v40  }
0xda: {  	v58 =	vld [tilespmem:s28+$0xFFFFFF10];
	(xrf2) =	vadd.scan.msk.f32 $0xffff, v34;
	v28 =	vmul.f32 v28, v9;
	v29 =	vmul.f32 v29, v10;
	v25 =	vadd.f32 v25, v35  }
0xdb: {  	v59 =	vld [tilespmem:s28+$0xFFFFFF20];
	v55 =	vadd.f32 v37, v36;
	v31 =	vmul.f32 v31, v7;
	v33 =	vmul.f32 v33, v6  }
0xdc: {  	v21 =	vmul.f32 v21, v9;
	v60 =	vmul.f32 v4, v7;
	v25 =	vadd.f32 v25, v30;
	v30 =	vld [tilespmem:s28+$0xFFFFFF30]  }
0xdd: {  	v61 =	vld [tilespmem:s28+$0x10];
	v57, _, _ =	vpop (xrf2);
	(xrf2) =	vadd.scan.msk.f32 $0xffff, v55;
	v22 =	vmul.f32 v22, v10;
	v4 =	vadd.f32 v29, v28;
	v28 =	vadd.f32 v33, v31  }
0xde: {  	v26 =	vmul.f32 v26, v7;
	v29 =	vld [tilespmem:s28+$0x0];
	v31 =	vmul.f32 v38, v6  }
0xdf: {  	v62 =	vmul.f32 v3, v6;
	v3 =	vmul.f32 v58, v10;
	v4 =	vadd.f32 v28, v4;
	v28 =	vld [tilespmem:s28+$0x20]  }
0xe0: {  	v39, _, _ =	vpop (xrf2);
	v45 =	vmul.f32 v59, v7;
	v21 =	vadd.f32 v22, v21;
	v44 =	vadd.f32 v31, v26;
	v31 =	vld [tilespmem:s28+$0x30];
	(xrf2) =	vadd.scan.msk.f32 $0xffff, v25  }
0xe1: {  	v63, _, _ =	vpop (xrf2);
	v25 =	vmul.f32 v56, v9;
	(xrf2) =	vadd.scan.msk.f32 $0xffff, v4;
	v41 =	vmul.f32 v30, v6  }
0xe2: {  	v8 =	vmul.f32 v8, v9;
	v4 =	vadd.f32 v44, v21  }
0xe3: {  	v46 =	vld [tilespmem:s29+$0x1E0];
	v11 =	vmul.f32 v11, v10;
	v3 =	vadd.f32 v3, v25;
	v21 =	vadd.f32 v41, v45  }
0xe4: {  	v10 =	vmul.f32 v61, v10;
	v22, _, _ =	vpop (xrf2);
	v9 =	vmul.f32 v29, v9;
	v29 =	vld [tilespmem:s29+$0x1F0]  }
0xe5: {  	v28 =	vmul.f32 v28, v7;
	(xrf2) =	vadd.scan.msk.f32 $0xffff, v4;
	v30 =	vpop (erf);
	v31 =	vmul.f32 v31, v6;
	v32 =	vadd.f32 v21, v3  }
0xe6: {  	(v2sf) =	vpush v2, $0xF;
	v18 =	vadd.f32 v20, v18;
	v27 =	vmul.f32 v30, v27  }
0xe7: {  	s28 =	sadd.s32 $0x500, s28;
	v47, _, _ =	vpop (xrf2);
	v9 =	vadd.f32 v10, v9;
	v10 =	vadd.f32 v31, v28;
	(xrf2) =	vadd.scan.msk.f32 $0xffff, v32  }
0xe8: {  	(v2sf) =	vpush v5, $0xF;
	v20 =	vadd.f32 v62, v60;
	v26 =	vld [tilespmem:s28+$0x140];
	v28 =	vmul.f32 v27, v27  }
0xe9: {  	v5 =	vld [tilespmem:s28+$0x250];
	v7 =	vmul.f32 v46, v7;
	v6 =	vmul.f32 v29, v6;
	v9 =	vadd.f32 v10, v9  }
0xea: {  	v8 =	vadd.f32 v11, v8;
	v49 =	vld [tilespmem:s28+$0x110];
	v10 =	vmul.f32 $1.428571490e-01, v28;
	v2, _, _ =	vpop (xrf2)  }
0xeb: {  	v18 =	vadd.f32 v20, v18;
	v50 =	vld [tilespmem:s28+$0x120];
	v6 =	vadd.f32 v6, v7;
	v48, _, _ =	vpop (xrf2);
	(xrf2) =	vadd.scan.msk.f32 $0xffff, v9  }
0xec: {  	v20 =	vld [tilespmem:s28+$0x130];
	v9 =	vadd.f32 $2.000000030e-01, v10;
	v10 =	vbroadcast v2, $0xF;
	v32 =	vbroadcast v48, $0xF  }
0xed: {  	v53 =	vld [tilespmem:s28+$0x200];
	v6 =	vadd.f32 v6, v8;
	v8 =	vbroadcast v47, $0xF  }
0xee: {  	v55 =	vld [tilespmem:s28+$0xE0];
	v22 =	vbroadcast v22, $0xF;
	v10 =	vsel vm1, v10, v32  }
0xef: {  	v59 =	vld [tilespmem:s28+$0x190];
	v51 =	vbroadcast v63, $0xF;
	v52, _, _ =	vpop (xrf2);
	(xrf2) =	vadd.scan.msk.f32 $0xffff, v6;
	v6 =	vsel vm2, v10, v8  }
0xf0: {  	v60 =	vld [tilespmem:s28+$0x1A0];
	v7 =	vbroadcast v39, $0xF;
	v6 =	vsel vm3, v6, v22  }
0xf1: {  	v11 =	vbroadcast v57, $0xF;
	v62 =	vld [tilespmem:s28+$0x50];
	v6 =	vsel vm4, v6, v51;
	v54, _, _ =	vpop (xrf2)  }
0xf2: {  	v42 =	vld [tilespmem:s28+$0x70];
	v6 =	vsel vm5, v6, v7;
	v7 =	vbroadcast v54, $0xF  }
0xf3: {  	v17 =	vbroadcast v17, $0xF;
	v43 =	vld [tilespmem:s28+$0xFFFFFFF0]  }
0xf4: {  	v56 =	vld [tilespmem:s28+$0xF0];
	v9 =	vmul.f32 v9, v28;
	v6 =	vsel vm6, v6, v7;
	v7 =	vbroadcast v52, $0xF  }
0xf5: {  	v24 =	vbroadcast v24, $0xF;
	v15 =	vbroadcast v15, $0xF;
	v63 =	vld [tilespmem:s28+$0x60];
	v6 =	vsel vm7, v6, v11;
	v11, _, _ =	vpop (xrf2)  }
0xf6: {  	v44 =	vld [tilespmem:s28+$0xFFFFFED0];
	v9 =	vadd.f32 $3.333333430e-01, v9;
	v6 =	vsel vm8, v6, v7;
	v57 =	vbroadcast v11, $0xF  }
0xf7: {  	v25 =	vld [tilespmem:s28+$0x150];
	(xrf2) =	vadd.scan.msk.f32 $0xffff, v18;
	v11 =	vbroadcast v13, $0xF;
	v13 =	vbroadcast v23, $0xF;
	v6 =	vsel vm9, v6, v24  }
0xf8: {  	v4 =	vld [tilespmem:s28+$0x160];
	v8 =	vshrl.u32 v19, $0x17;
	v10 =	vsel vm15, $0x1, v0;
	v6 =	vsel vm10, v6, v57  }
0xf9: {  	v46 =	vld [tilespmem:s28+$0xFFFFFEE0];
	v8 =	vand.u32 $0xFF, v8;
	v9 =	vmul.f32 v9, v28;
	v6 =	vsel vm11, v6, v13  }
0xfa: {  	v30 =	vld [tilespmem:s28+$0x270];
	v8 =	vadd.s32 v10, v8;
	v10 =	vadd.f32 v27, v27;
	v15 =	vsel vm12, v6, v15  }
0xfb: {  	v31 =	vld [tilespmem:s28+$0x100];
	v8 =	vadd.s32 $0xFFFFFF81, v8;
	v9 =	vadd.f32 $1.000000000e+00, v9;
	v15 =	vsel vm13, v15, v11  }
0xfc: {  	v8 =	vcvt.s32.f32 v8;
	v15 =	vsel vm14, v15, v17;
	v17 =	vld [tilespmem:$0x1FFD0]  }
0xfd: {  	v16 =	vbroadcast v16, $0xF;
	v29 =	vld [tilespmem:s28+$0x260];
	v9 =	vmul.f32 v9, v10;
	v7, _, _ =	vpop (xrf2)  }
0xfe: {  	v21 =	vld [tilespmem:s28+$0x240];
	v10 =	vmul.f32 $6.931471820e-01, v8;
	v24 =	vbroadcast v7, $0xF  }
0xff: {  	s2 =	sshra.s32 s30, $0x2;
	v12 =	vbroadcast v12, $0xF;
	v16 =	vnsel vm1, $0xF149F2CA, v16;
	v19 =	vld [tilespmem:s28+$0x210]  }
0x100: {  	vm15 =	vcmask $0x710;
	v23 =	vadd.f32 v9, v10;
	v9 =	vld [tilespmem:s2+$0x2A0];
	v16 =	vsel vm0, v16, v24  }
0x101: {  	v14 =	vbroadcast v14, $0xF;
	v10 =	vld [tilespmem:s2+$0x2B0];
	v13, _, _ =	vpop (xrf2);
	v12 =	vsel vm15, v16, v12;
	vm15 =	vnez.u8 v17  }
0x102: {  	v27 =	vld [tilespmem:s28+$0xD0];
	v13 =	vsel vm15, v15, v13;
	vm15 =	vcmask $0xB10  }
0x103: {  	s31 =	spop (v2sf);
	v18 =	vld [tilespmem:s28+$0xC0];
	v12 =	vsel vm15, v12, v14  }
0x104: {  	s0 =	spop (v2sf);
	v7 =	vld [tilespmem:s2+$0x2C0];
	v15 =	vmax.f32 v13, v12  }
0x105: {  	s0 =	ssub.f32 s0, s31;
	v6 =	vld [tilespmem:s2+$0x2D0];
	(xrf0) =	vmax.scan.msk.f32 $0xffff, v15  }
0x106: {  	v3 =	vld [tilespmem:s28+$0x170];
	v21 =	vmul.f32 v21, v9;
	v5 =	vmul.f32 v5, v10  }
0x107: {  	v47 =	vld [tilespmem:s28+$0xFFFFFE80];
	v23 =	vadd.f32 s0, v23;
	v36 =	vmul.f32 v53, v9;
	v19 =	vmul.f32 v19, v10  }
0x108: {  	v22 =	vld [tilespmem:s28+$0x220];
	v18 =	vmul.f32 v18, v9;
	v27 =	vmul.f32 v27, v10  }
0x109: {  	v28 =	vld [tilespmem:s28+$0x230];
	v1 =	vadd.f32 v23, v1;
	v23 =	vmul.f32 v29, v7;
	v29 =	vmul.f32 v31, v9  }
0x10a: {  	v51 =	vld [tilespmem:s28+$0xFFFFFE40];
	v24 =	vmul.f32 v30, v6;
	v30 =	vmul.f32 v49, v10  }
0x10b: {  	v8 =	vld [tilespmem:s28+$0x1C0];
	v61 =	vadd.f32 v5, v21;
	v19 =	vadd.f32 v19, v36;
	v58 =	vmul.f32 v50, v7;
	v5, _, _ =	vpop (xrf0)  }
0x10c: {  	v16 =	vld [tilespmem:s28+$0x80];
	v20 =	vmul.f32 v20, v6;
	v29 =	vadd.f32 v30, v29;
	v30 =	vbroadcast v5, $0xF  }
0x10d: {  	v18 =	vadd.f32 v27, v18;
	v22 =	vmul.f32 v22, v7;
	v17 =	vld [tilespmem:s28+$0xA0];
	v21 =	vadd.f32 v24, v23  }
0x10e: {  	v28 =	vmul.f32 v28, v6;
	v20 =	vadd.f32 v20, v58;
	v14 =	vld [tilespmem:s28+$0x90];
	v13 =	vsub.f32 v13, v30  }
0x10f: {  	v21 =	vadd.f32 v21, v61;
	v15 =	vld [tilespmem:s28+$0xB0];
	v12 =	vsub.f32 v12, v30  }
0x110: {  	v31 =	vld [tilespmem:s28+$0x180];
	v32 =	vmul.f32 v55, v7;
	v22 =	vadd.f32 v28, v22;
	v13 =	vmul.f32 $1.442695020e+00, v13  }
0x111: {  	v57 =	vld [tilespmem:s28+$0xFFFFFD90];
	v20 =	vadd.f32 v20, v29;
	(xrf2) =	vadd.scan.msk.f32 $0xffff, v21;
	v21 =	vmul.f32 v56, v6;
	v12 =	vmul.f32 $1.442695020e+00, v12  }
0x112: {  	v23 =	vld [tilespmem:s28+$0x1B0];
	v16 =	vmul.f32 v16, v9;
	v19 =	vadd.f32 v22, v19;
	(erf) = vpow2.f32 v13  }
0x113: {  	v11 =	vld [tilespmem:s28+$0x1D0];
	(xrf2) =	vadd.scan.msk.f32 $0xffff, v20;
	v17 =	vmul.f32 v17, v7;
	v20 =	vadd.f32 v21, v32;
	(erf) = vpow2.f32 v12  }
0x114: {  	v27 =	vld [tilespmem:s28+$0xFFFFFF50];
	v14 =	vmul.f32 v14, v10;
	v13 =	vmul.f32 v15, v6  }
0x115: {  	v50 =	vld [tilespmem:s28+$0xFFFFFEB0];
	(xrf2) =	vadd.scan.msk.f32 $0xffff, v19;
	v15 =	vmul.f32 v31, v9;
	v12 =	vadd.f32 v20, v18  }
0x116: {  	v49 =	vld [tilespmem:s28+$0xFFFFFE90];
	v20 =	vadd.f32 v14, v16;
	v16 =	vmul.f32 v59, v10;
	v13 =	vadd.f32 v13, v17  }
0x117: {  	v28 =	vld [tilespmem:s28+$0xFFFFFFD0];
	v18 =	vmul.f32 v23, v6  }
0x118: {  	v19 =	vld [tilespmem:s28+$0xFFFFFF40];
	v17 =	vmul.f32 v60, v7;
	(xrf2) =	vadd.scan.msk.f32 $0xffff, v12;
	v12 =	vadd.f32 v13, v20;
	v20 =	vadd.f32 v16, v15  }
0x119: {  	v29 =	vld [tilespmem:s28+$0xFFFFFFC0]  }
0x11a: {  	v30 =	vld [tilespmem:s28+$0xFFFFFFE0];
	v15 =	vadd.f32 v18, v17  }
0x11b: {  	v37 =	vmul.f32 v47, v9;
	v34 =	vmul.f32 v63, v7;
	v24 =	vld [tilespmem:s28+$0x40];
	v13 =	vpop (erf)  }
0x11c: {  	v35 =	vmul.f32 v46, v7;
	v36 =	vmul.f32 v42, v6;
	v58 =	vld [tilespmem:s28+$0xFFFFFDA0];
	v45 =	vadd.f32 v15, v20;
	v20 =	vpop (erf)  }
0x11d: {  	v27 =	vmul.f32 v27, v10;
	v19 =	vmul.f32 v19, v9;
	v31 =	vld [tilespmem:s28+$0xFFFFFF70];
	v14, _, _ =	vpop (xrf2);
	(xrf2) =	vadd.scan.msk.f32 $0xffff, v12;
	v48 =	vadd.f32 v20, v13  }
0x11e: {  	v33 =	vmul.f32 v43, v6;
	v28 =	vmul.f32 v28, v10;
	v23 =	vld [tilespmem:s28+$0xFFFFFF60];
	v17, _, _ =	vpop (xrf2);
	(xrf2) =	vadd.scan.msk.f32 $0xffff, v45  }
0x11f: {  	v29 =	vmul.f32 v29, v9;
	v19 =	vadd.f32 v27, v19;
	v27 =	vld [tilespmem:s28+$0xFFFFFE10];
	v30 =	vmul.f32 v30, v7;
	v12, _, _ =	vpop (xrf2);
	(xrf2) =	vadd.scan.msk.f32 $0xffff, v48  }
0x120: {  	v16 =	vld [tilespmem:s28+$0xFFFFFEC0];
	v15 =	vmul.f32 v24, v9;
	v24 =	vmul.f32 v62, v10  }
0x121: {  	v28 =	vadd.f32 v28, v29;
	v29 =	vadd.f32 v33, v30;
	v18 =	vmul.f32 v26, v9;
	v26 =	vld [tilespmem:s28+$0xFFFFFEF0]  }
0x122: {  	v38 =	vmul.f32 v49, v10;
	v30 =	vld [tilespmem:s28+$0xFFFFFE60];
	v15 =	vadd.f32 v24, v15;
	v24 =	vadd.f32 v36, v34  }
0x123: {  	v54 =	vmul.f32 v31, v6;
	v31 =	vld [tilespmem:s28+$0xFFFFFE70];
	v23 =	vmul.f32 v23, v7  }
0x124: {  	v32 =	vmul.f32 v44, v10;
	v28 =	vadd.f32 v29, v28;
	v29 =	vld [tilespmem:s28+$0xFFFFFE00];
	v52 =	vadd.f32 v24, v15  }
0x125: {  	v56 =	vld [tilespmem:s28+$0xFFFFFD80];
	v27 =	vmul.f32 v27, v10;
	v23 =	vadd.f32 v54, v23;
	v53 =	vmul.f32 v16, v9  }
0x126: {  	v26 =	vmul.f32 v26, v6;
	v20 =	vmul.f32 v25, v10;
	v25 =	vld [tilespmem:s28+$0xFFFFFEA0];
	v13, _, _ =	vpop (xrf2);
	(xrf2) =	vadd.scan.msk.f32 $0xffff, v52  }
0x127: {  	v34 =	vmul.f32 v50, v6;
	v36 =	vmul.f32 v51, v9;
	v24 =	vld [tilespmem:s28+$0xFFFFFE50];
	v55 =	vadd.f32 v23, v19;
	v15, _, _ =	vpop (xrf2);
	(xrf2) =	vadd.scan.msk.f32 $0xffff, v28  }
0x128: {  	v30 =	vmul.f32 v30, v7;
	v23 =	vld [tilespmem:s28+$0xFFFFFE30];
	v32 =	vadd.f32 v32, v53;
	v26 =	vadd.f32 v26, v35;
	v16, _, _ =	vpop (xrf2)  }
0x129: {  	v31 =	vmul.f32 v31, v6;
	v59 =	vmul.f32 v29, v9;
	v28 =	vld [tilespmem:s28+$0xFFFFFE20];
	v19, _, _ =	vpop (xrf2)  }
0x12a: {  	v22 =	vld [tilespmem:s28+$0xFFFFFF90];
	v29 =	vadd.f32 v38, v37;
	v26 =	vadd.f32 v26, v32;
	v19 =	vbroadcast v19, $0xF  }
0x12b: {  	v21 =	vld [tilespmem:s28+$0xFFFFFF80];
	v35 =	vmul.f32 v58, v7;
	v63 =	vadd.f32 v31, v30;
	v25 =	vmul.f32 v25, v7;
	(xrf2) =	vadd.scan.msk.f32 $0xffff, v55  }
0x12c: {  	p0 =	sne.s32 s30, $0x1F00;
	v33 =	vld [tilespmem:s28+$0xFFFFFDF0];
	v30 =	vmul.f32 v56, v9;
	v24 =	vmul.f32 v24, v10;
	(xrf2) =	vadd.scan.msk.f32 $0xffff, v26;
	v26 =	vand.u32 $0x7FFFFF, v19  }
.Ltmp0:
0x12d: {  	v31 =	vld [tilespmem:s28+$0xFFFFFDE0];
	v62 =	vmul.f32 v23, v6;
	v60 =	vadd.f32 v34, v25;
	v26 =	vor.u32 $0x3F800000, v26;
	(pc) =	sbr.rel @p0 .LBB2_3-.Ltmp0, $4  }
0x12e: {  	v25 =	vld [tilespmem:s28+$0xFFFFFDB0];
	v61 =	vmul.f32 v28, v7;
	v42 =	vmul.f32 $5.000000000e-01, v26  }
0x12f: {  	v43 =	vadd.f32 v24, v36;
	v34 =	vadd.f32 v60, v29;
	v29 =	vld [tilespmem:s28+$0xFFFFFDD0];
	vm15 =	vgt.f32 v26, $1.414213540e+00  }
0x130: {  	v36 =	vadd.f32 v27, v59;
	v28 =	vld [tilespmem:s28+$0xFFFFFDC0];
	v37 =	vadd.f32 v62, v61;
	v23, _, _ =	vpop (xrf2);
	v27 =	vsel vm15, v42, v26  }
0x131: {  	s30 =	sadd.s32 $0x100, s30;
	s29 =	smov.u32 s28;
	v32 =	vmul.f32 v57, v10;
	(xrf2) =	vadd.scan.msk.f32 $0xffff, v34;
	v34 =	vadd.f32 v63, v43;
	v24, _, _ =	vpop (xrf2);
	v26 =	vld [tilespmem:s28+$0xFFFFFFA0];
	v27 =	vadd.f32 $-1.000000000e+00, v27  }
0x132: {  	v38 =	vld [tilespmem:s28+$0xFFFFFFB0]  }
0x133: {  	v39 =	vld [tilespmem:s28+$0xFFFFFF00]  }
0x134: {  	v40 =	vld [tilespmem:s28+$0xFFFFFF10];
	v31 =	vmul.f32 v31, v7  }
0x135: {  	v54 =	vld [tilespmem:s28+$0xFFFFFF20];
	v55 =	vmul.f32 v33, v6;
	v25 =	vmul.f32 v25, v6  }
0x136: {  	v36 =	vadd.f32 v37, v36;
	v56 =	vld [tilespmem:s28+$0xFFFFFF30];
	v29 =	vmul.f32 v29, v10;
	v28 =	vmul.f32 v28, v9  }
0x137: {  	v57 =	vld [tilespmem:s28+$0x0];
	v21 =	vmul.f32 v21, v9;
	v30 =	vadd.f32 v32, v30;
	v25 =	vadd.f32 v25, v35  }
0x138: {  	v22 =	vmul.f32 v22, v10;
	v58 =	vld [tilespmem:s28+$0x10];
	v31 =	vadd.f32 v55, v31;
	v28 =	vadd.f32 v29, v28  }
0x139: {  	v60 =	vld [tilespmem:s28+$0x20];
	(xrf2) =	vadd.scan.msk.f32 $0xffff, v34;
	v26 =	vmul.f32 v26, v7;
	v25 =	vadd.f32 v25, v30;
	v59 =	vmul.f32 v38, v6  }
0x13a: {  	v63 =	vld [tilespmem:s28+$0x30];
	(xrf2) =	vadd.scan.msk.f32 $0xffff, v36;
	v61 =	vmul.f32 v39, v9;
	v62 =	vmul.f32 v40, v10;
	v28 =	vadd.f32 v31, v28  }
0x13b: {  	v42 =	vld [tilespmem:s29+$0x1E0];
	v40 =	vmul.f32 v54, v7;
	v33 =	vmul.f32 v56, v6;
	(xrf2) =	vadd.scan.msk.f32 $0xffff, v25  }
0x13c: {  	v44 =	vld [tilespmem:s29+$0x1F0];
	v21 =	vadd.f32 v22, v21;
	v41 =	vadd.f32 v59, v26;
	(xrf2) =	vadd.scan.msk.f32 $0xffff, v28  }
0x13d: {  	v8 =	vmul.f32 v8, v9;
	v43 =	vadd.f32 v62, v61;
	v25 =	vadd.f32 v33, v40  }
0x13e: {  	v45 =	vmul.f32 v57, v9;
	v46 =	vmul.f32 v58, v10;
	v21 =	vadd.f32 v41, v21  }
0x13f: {  	v47 =	vmul.f32 v60, v7;
	v48 =	vmul.f32 v63, v6;
	v25 =	vadd.f32 v25, v43  }
0x140: {  	v51 =	vmul.f32 v11, v10;
	v49, _, _ =	vpop (xrf2);
	v55 =	vmul.f32 v42, v7;
	(xrf2) =	vadd.scan.msk.f32 $0xffff, v21  }
0x141: {  	v50, _, _ =	vpop (xrf2);
	v56 =	vmul.f32 v44, v6;
	v52 =	vadd.f32 v46, v45;
	v53 =	vadd.f32 v48, v47;
	(xrf2) =	vadd.scan.msk.f32 $0xffff, v25  }
0x142: {  	v8 =	vadd.f32 v51, v8;
	v54, _, _ =	vpop (xrf2)  }
0x143: {  	v59 =	vadd.f32 v56, v55;
	v11 =	vadd.f32 v53, v52;
	v57, _, _ =	vpop (xrf2)  }
0x144: {  	v58, _, _ =	vpop (xrf2)  }
0x145: {  	v62 =	vadd.f32 v59, v8;
	(xrf2) =	vadd.scan.msk.f32 $0xffff, v11;
	v60, _, _ =	vpop (xrf2)  }
0x146: {  	v4 =	vmul.f32 v4, v7;
	v3 =	vmul.f32 v3, v6;
	v61, _, _ =	vpop (xrf2)  }
0x147: {  	(xrf2) =	vadd.scan.msk.f32 $0xffff, v62;
	v63 =	vbroadcast v60, $0xF;
	v6 =	vbroadcast v61, $0xF  }
0x148: {  	v20 =	vadd.f32 v20, v18;
	v3 =	vadd.f32 v3, v4;
	v21 =	vbroadcast v58, $0xF  }
0x149: {  	v26 =	vbroadcast v57, $0xF;
	v6 =	vsel vm1, v63, v6  }
0x14a: {  	v3 =	vadd.f32 v3, v20;
	v28 =	vbroadcast v54, $0xF;
	v29, _, _ =	vpop (xrf2);
	v4 =	vsel vm2, v6, v21  }
0x14b: {  	v30 =	vbroadcast v50, $0xF;
	v31, _, _ =	vpop (xrf2);
	v4 =	vsel vm3, v4, v26  }
0x14c: {  	(xrf2) =	vadd.scan.msk.f32 $0xffff, v3;
	v7 =	vbroadcast v31, $0xF;
	v4 =	vsel vm4, v4, v28  }
0x14d: {  	v3 =	vbroadcast v49, $0xF;
	v4 =	vsel vm5, v4, v30  }
0x14e: {  	v37 =	vbroadcast v23, $0xF;
	v33 =	vbroadcast v29, $0xF;
	v4 =	vsel vm6, v4, v7  }
0x14f: {  	v34 =	vbroadcast v24, $0xF;
	v36 =	vbroadcast v17, $0xF;
	v35, _, _ =	vpop (xrf2);
	v3 =	vsel vm7, v4, v3  }
0x150: {  	v38 =	vbroadcast v15, $0xF;
	v4 =	vbroadcast v35, $0xF;
	v3 =	vsel vm8, v3, v33  }
0x151: {  	v39 =	vbroadcast v16, $0xF;
	v44 =	vbroadcast v12, $0xF;
	v47 =	vld [tilespmem:$0x1FFD0];
	v40, _, _ =	vpop (xrf2);
	v3 =	vsel vm9, v3, v34  }
0x152: {  	v45 =	vbroadcast v14, $0xF;
	v42 =	vbroadcast v40, $0xF;
	v3 =	vsel vm10, v3, v4  }
0x153: {  	v41 =	vbroadcast v13, $0xF;
	v43 =	vnsel vm1, $0xF149F2CA, v39;
	v3 =	vsel vm11, v3, v37  }
0x154: {  	v4 =	vsel vm0, v43, v42;
	vm0 =	vcmask $0x710;
	v3 =	vsel vm12, v3, v38  }
0x155: {  	vm2 =	vmmov vm14;
	v4 =	vsel vm0, v4, v44;
	v3 =	vsel vm13, v3, v41  }
0x156: {  	v46, _, _ =	vpop (xrf2);
	vm0 =	vnez.u8 v47;
	v3 =	vsel vm14, v3, v36;
	vm14 =	vcmask $0xB10  }
0x157: {  	v3 =	vsel vm0, v3, v46;
	v4 =	vsel vm14, v4, v45  }
0x158: {  	v6 =	vmax.f32 v3, v4  }
0x159: {  	(xrf0) =	vmax.scan.msk.f32 $0xffff, v6;
	_ =	sdelay $0x5  }
0x15a: {  	v6, _, _ =	vpop (xrf0)  }
0x15b: {  	v48 =	vbroadcast v6, $0xF;
	_ =	sdelay $0x1  }
0x15c: {  	v3 =	vsub.f32 v3, v48  }
0x15d: {  	v49 =	vadd.f32 $2.000000000e+00, v27;
	v4 =	vsub.f32 v4, v48  }
0x15e: {  	v3 =	vmul.f32 $1.442695020e+00, v3  }
0x15f: {  	(erf) = vrcp.f32 v49;
	v4 =	vmul.f32 $1.442695020e+00, v4  }
0x160: {  	(erf) = vpow2.f32 v3  }
0x161: {  	(erf) = vpow2.f32 v4;
	_ =	sdelay $0x6  }
0x162: {  	v3 =	vpop (erf)  }
0x163: {  	v50 =	vpop (erf)  }
0x164: {  	v51 =	vpop (erf)  }
0x165: {  	v4 =	vadd.f32 v51, v50;
	_ =	sdelay $0x1  }
0x166: {  	(xrf2) =	vadd.scan.msk.f32 $0xffff, v4;
	_ =	sdelay $0x9  }
0x167: {  	v4, _, _ =	vpop (xrf2)  }
0x168: {  	v4 =	vbroadcast v4, $0xF;
	_ =	sdelay $0x1  }
0x169: {  	v52 =	vand.u32 $0x7FFFFF, v4  }
0x16a: {  	v7 =	vor.u32 $0x3F800000, v52  }
0x16b: {  	v53 =	vmul.f32 $5.000000000e-01, v7  }
0x16c: {  	vm14 =	vgt.f32 v7, $1.414213540e+00  }
0x16d: {  	v7 =	vsel vm14, v53, v7  }
0x16e: {  	v7 =	vadd.f32 $-1.000000000e+00, v7;
	_ =	sdelay $0x1  }
0x16f: {  	v54 =	vadd.f32 $2.000000000e+00, v7;
	_ =	sdelay $0x1  }
0x170: {  	(erf) = vrcp.f32 v54;
	_ =	sdelay $0x6  }
0x171: {  	v3 =	vmul.f32 v3, v27;
	_ =	sdelay $0x1  }
0x172: {  	(v2sf) =	vpush v2, $0xF;
	v2 =	vmul.f32 v3, v3;
	v8 =	vpop (erf)  }
0x173: {  	(v2sf) =	vpush v5, $0xF;
	v55 =	vmul.f32 v8, v7  }
0x174: {  	(v2sf) =	vpush v60, $0xF;
	v56 =	vmul.f32 $1.428571490e-01, v2  }
0x175: {  	(v2sf) =	vpush v6, $0xF;
	v8 =	vmul.f32 v55, v55  }
0x176: {  	v57 =	vadd.f32 $2.000000030e-01, v56  }
0x177: {  	v58 =	vmul.f32 $1.428571490e-01, v8  }
0x178: {  	v6 =	vmul.f32 v57, v2  }
0x179: {  	v59 =	vshrl.u32 v19, $0x17;
	v7 =	vadd.f32 $2.000000030e-01, v58  }
0x17a: {  	v9 =	vand.u32 $0xFF, v59;
	v60 =	vsel vm15, $0x1, v0;
	v6 =	vadd.f32 $3.333333430e-01, v6  }
0x17b: {  	v9 =	vadd.s32 v60, v9;
	v7 =	vmul.f32 v7, v8  }
0x17c: {  	v62 =	vadd.s32 $0xFFFFFF81, v9;
	v3 =	vadd.f32 v3, v3;
	v2 =	vmul.f32 v6, v2  }
0x17d: {  	v6 =	vcvt.s32.f32 v62;
	v4 =	vshrl.u32 v4, $0x17;
	v7 =	vadd.f32 $3.333333430e-01, v7  }
0x17e: {  	v2 =	vadd.f32 $1.000000000e+00, v2;
	v4 =	vand.u32 $0xFF, v4;
	v61 =	vsel vm14, $0x1, v0  }
0x17f: {  	v4 =	vadd.s32 v61, v4;
	v7 =	vmul.f32 v7, v8  }
0x180: {  	v2 =	vmul.f32 v2, v3;
	v3 =	vmul.f32 $6.931471820e-01, v6;
	v4 =	vadd.s32 $0xFFFFFF81, v4  }
0x181: {  	s0 =	spop (v2sf);
	v4 =	vcvt.s32.f32 v4;
	v5 =	vadd.f32 v55, v55;
	v63 =	vadd.f32 $1.000000000e+00, v7  }
0x182: {  	s2 =	spop (v2sf)  }
0x183: {  	s0 =	ssub.f32 s2, s0;
	s29 =	spop (v2sf);
	v2 =	vadd.f32 v2, v3;
	v4 =	vmul.f32 $6.931471820e-01, v4;
	v3 =	vmul.f32 v63, v5  }
0x184: {  	s30 =	spop (v2sf)  }
0x185: {  	s31 =	ssub.f32 s30, s29;
	v2 =	vadd.f32 s0, v2;
	v3 =	vadd.f32 v3, v4;
	_ =	sdelay $0x1  }
0x186: {  	v1 =	vadd.f32 v2, v1;
	v2 =	vadd.f32 s31, v3  }
0x187: {  	s26 =	sadd.s32 $0x1, s26  }
0x188: {  	p0 =	sne.s32 s26, $0x10;
	v1 =	vadd.f32 v2, v1;
	v2 =	vld [tilespmem:$0x1FFF0]  }
.Ltmp1:
0x189: {  	_ = 	snop;
	(pc) =	sbr.rel @p0 .LBB2_2-.Ltmp1, $2  }
0x18a: {  	_ =	sdelay $0x2  }
0x18b: {  	vm15 =	vcmask $0x310;
	vm14 =	vnez.u8 v2  }
0x18c: {  	s25 =	sadd.s32 $0x1, s25  }
0x18d: {  	p0 =	sne.s32 s25, s9  }
.Ltmp2:
0x18e: {  	[tilespmem:$0xAAA0] =	vst v1;
	(pc) =	sbr.rel @p0 .LBB2_1-.Ltmp2, $4  }
0x18f: {  	[hbm4b:s8+s3] =	stream.linear.scatter [tilespmem:s24], [sflag:$0x2], $0x10, $0x38;
	[tilespmem:$0xAAB0] =	vst v63  }
0x190: {  	_ =	swait.ge [sflag:s10], $0x10  }
0x191: {  	[sflag:s10] =	ssyncset.done $0x0  }
0x192: {  	[sflag:s10] =	ssyncadd.s32 $0xFFFFFFF0  }
0x193: {  	_ =	sfence.sel $0x180000  }
0x194: {  	[bflag:$0x0] =	sbarrier.arrive $0xFFFF  }
0x195: {  	_ =	strace $0x90000047  }
0x196: {  	s0 =	stileid.u32;
	[bflag:$0x2] =	sbarrier.arrive $0xFFFF  }
0x197: {  	p0 =	sne.s32 s0, $0x0;
	s0 =	rddreg [dreg:$0x2]  }
0x198: {  	s0 =	sadd.s32 @!p0 $0x100000, s0  }
0x199: {  	[sflag:s0] =	ssyncadd.tile.s32 @!p0 $0x1;
	_ =	shalt  }
.Lfunc_end2:
_tile_overlayer_lowered:
.L_overlay_start_2:
0x19a: {  	(tag) =	ssettag $0x2  }
0x19b: {  	s0 =	rddreg [dreg:$0x0];
	s2 =	stileid.u32  }
0x19c: {  	s1 =	rddreg [dreg:$0x1];
	p0 =	sne.s32 s2, $0x0  }
0x19d: {  	s3 =	rddreg [dreg:$0x2];
	[bflag:$0x3] =	sbarrier.arrive $0xFFFF;
	s2 =	simm.s32 @!p0 $0x1C02  }
0x19e: {  	[timem:s3], [sflag:s2] =	dma.local @!p0 [hbm:s0], s1  }
0x19f: {  	s0 =	simm.s32 @!p0 $0x2  }
0x1a0: {  	_ =	swait.ge @!p0 [sflag:s0], s1  }
0x1a1: {  	s1 =	ssub.s32 @!p0 $0x0, s1;
	[sflag:s0] =	ssyncset.done @!p0 $0x0  }
0x1a2: {  	[sflag:s0] =	ssyncadd.s32 @!p0 s1  }
0x1a3: {  	[bflag:$0x3] =	sbarrier.arrive $0xFFFF  }
0x1a4: {  	_ =	shalt  }

</sc_bundles>
